<compile_context>
chip_gen: v7x
topology: tpu7x:2x2x1
jax: 0.10.2.dev20260603
libtpu: 0.0.44.dev20260713+nightly
codegen_flags: <defaults>
</compile_context>

<pallas_src>
import jax
import jax.numpy as jnp
from jax import lax
from jax.experimental import pallas as pl
from jax.experimental.pallas import tpu as pltpu
from jax.experimental.pallas import tpu_sc as plsc

EMBEDDING_DIM = 128
WINDOW = 128
NBUF = 4
NUM_CORES = 2
NUM_SUBCORES = 16
NUM_WORKERS = NUM_CORES * NUM_SUBCORES


def kernel(sentences_indices, embedding_table):
    batch, hist = sentences_indices.shape
    num_indices = batch * hist
    steps_per_worker = num_indices // (NUM_WORKERS * WINDOW)
    idx2d = sentences_indices.reshape(num_indices // WINDOW, WINDOW).astype(
        jnp.int32
    )

    mesh = plsc.VectorSubcoreMesh(
        core_axis_name="core", subcore_axis_name="subcore"
    )

    @pl.kernel(
        out_type=jax.ShapeDtypeStruct(
            (num_indices // WINDOW, WINDOW, EMBEDDING_DIM), jnp.float32
        ),
        mesh=mesh,
        scratch_types=[
            pltpu.VMEM((steps_per_worker, WINDOW), jnp.int32),
            pltpu.VMEM((NBUF, WINDOW, EMBEDDING_DIM), jnp.float32),
            pltpu.SemaphoreType.DMA((NBUF,)),
            pltpu.SemaphoreType.DMA((NBUF // 2,)),
        ],
    )
    def gather_kernel(table_hbm, idx_hbm, out_hbm, idx_v, bufs, gsem, osem):
        wid = lax.axis_index("subcore") * NUM_CORES + lax.axis_index("core")
        row0 = wid * steps_per_worker

        pltpu.sync_copy(idx_hbm.at[pl.ds(row0, steps_per_worker)], idx_v)

        for b in range(NBUF):
            pltpu.async_copy(table_hbm.at[idx_v.at[b]], bufs.at[b], gsem.at[b])

        def pair_out(p, j):
            for q in range(2):
                pltpu.make_async_copy(
                    table_hbm.at[idx_v.at[j + q]],
                    bufs.at[2 * p + q],
                    gsem.at[2 * p + q],
                ).wait()
            pltpu.async_copy(
                bufs.at[pl.ds(2 * p, 2)],
                out_hbm.at[pl.ds(row0 + j, 2)],
                osem.at[p],
            )

        def pair_out_wait(p, j):
            pltpu.make_async_copy(
                bufs.at[pl.ds(2 * p, 2)],
                out_hbm.at[pl.ds(row0 + j, 2)],
                osem.at[p],
            ).wait()

        @pl.loop(0, steps_per_worker - NBUF, step=NBUF)
        def _(jo):
            for p in range(NBUF // 2):
                j = jo + 2 * p
                pair_out(p, j)
                pair_out_wait(p, j)
                for q in range(2):
                    pltpu.async_copy(
                        table_hbm.at[idx_v.at[j + NBUF + q]],
                        bufs.at[2 * p + q],
                        gsem.at[2 * p + q],
                    )

        jt = steps_per_worker - NBUF
        for p in range(NBUF // 2):
            pair_out(p, jt + 2 * p)
        for p in range(NBUF // 2):
            pair_out_wait(p, jt + 2 * p)

    out = gather_kernel(embedding_table, idx2d)
    return out.reshape(batch, hist, EMBEDDING_DIM)

# --- scband reference (transcript-rebuilt; emitter-appended) ---
"""Pipeline reference for scband-embedding-12979391168786 (READ-ONLY COPY).

The authoritative reference and input builder live on the scoring server;
editing this copy changes nothing except your own understanding.
"""

import jax, jax.numpy as jnp
import numpy as np

NUM_EMBEDDINGS = 100000
EMBEDDING_DIM = 128
BATCH = 4096
HIST_LEN = 200

def setup_inputs(seed: int = 0) -> dict:
    key = jax.random.key(seed)
    k_idx, k_tab = jax.random.split(key)
    sentences_indices = jax.random.randint(k_idx, (BATCH, HIST_LEN), 0, NUM_EMBEDDINGS, dtype=jnp.int64 if jax.config.jax_enable_x64 else jnp.int32)
    embedding_table = jax.random.normal(k_tab, (NUM_EMBEDDINGS, EMBEDDING_DIM), dtype=jnp.float32)
    return {"sentences_indices": sentences_indices, "embedding_table": embedding_table}

def reference(sentences_indices, embedding_table):
    # Faithful translation of nn.Embedding forward: row gather from table
    embedded = jnp.take(embedding_table, sentences_indices, axis=0)
    return embedded

if __name__ == "__main__":
    import jax
    _d = setup_inputs()
    print(jax.jit(kernel)(*tuple(_d.values())))

</pallas_src>

<mosaic_0001>
#map = affine_map<(d0, d1) -> (0, 0)>
#map1 = affine_map<(d0, d1) -> (0, 0, 0)>
module attributes {stable_mosaic.version = 14 : i64} {
  func.func @gather_kernel(%arg0: i32, %arg1: i32, %arg2: memref<100000x128xf32, #tpu.memory_space<hbm>>, %arg3: memref<6400x128xi32, #tpu.memory_space<hbm>>, %arg4: memref<6400x128x128xf32, #tpu.memory_space<hbm>>, %arg5: memref<200x128xi32, #tpu.memory_space<vmem>>, %arg6: memref<4x128x128xf32, #tpu.memory_space<vmem>>, %arg7: memref<4x!tpu.dma_semaphore, #tpu.memory_space<semaphore_mem>>, %arg8: memref<2x!tpu.dma_semaphore, #tpu.memory_space<semaphore_mem>>) attributes {dimension_semantics = [#tpu.dimension_semantics<core_parallel>, #tpu.dimension_semantics<subcore_parallel>], iteration_bounds = array<i64: 2, 16>, scalar_prefetch = 0 : i64, scratch_operands = 4 : i64, tpu.core_type = #tpu.core_type<sc_vector_subcore>, window_params = [{transform_indices = #map}, {transform_indices = #map}, {transform_indices = #map1}]} {
    %mul3A = arith.constant 2 : i32
    %mul3A_0 = arith.muli %arg1, %mul3A : i32
    %add3A = arith.addi %mul3A_0, %arg0 : i32
    %mul3A_1 = arith.constant 200 : i32
    %mul3A_2 = arith.muli %add3A, %mul3A_1 : i32
    "tpu.region"() ({
      %run_scoped3A = tpu.sem_alloc : memref<!tpu.dma_semaphore, #tpu.memory_space<semaphore_mem>>
      %dma_start3A_201 = arith.constant 0 : i32
      %dma_start3A_202 = tpu.memref_slice %arg3[%mul3A_2, %dma_start3A_201] : memref<6400x128xi32, #tpu.memory_space<hbm>> -> memref<200x128xi32, #tpu.memory_space<hbm>>
      %dma_start3A_203 = arith.constant 0 : i32
      %dma_start3A_204 = tpu.memref_slice %arg3[%mul3A_2, %dma_start3A_203] : memref<6400x128xi32, #tpu.memory_space<hbm>> -> memref<200x128xi32, #tpu.memory_space<hbm>>
      tpu.enqueue_dma source(%dma_start3A_204 : memref<200x128xi32, #tpu.memory_space<hbm>>) target(%arg5 : memref<200x128xi32, #tpu.memory_space<vmem>>) target_semaphore(%run_scoped3A : memref<!tpu.dma_semaphore, #tpu.memory_space<semaphore_mem>>)
      %dma_wait3A_205 = arith.constant 0 : i32
      %dma_wait3A_206 = tpu.memref_slice %arg3[%mul3A_2, %dma_wait3A_205] : memref<6400x128xi32, #tpu.memory_space<hbm>> -> memref<200x128xi32, #tpu.memory_space<hbm>>
      %dma_wait3A_207 = arith.constant 0 : i32
      %dma_wait3A_208 = tpu.memref_slice %arg3[%mul3A_2, %dma_wait3A_207] : memref<6400x128xi32, #tpu.memory_space<hbm>> -> memref<200x128xi32, #tpu.memory_space<hbm>>
      tpu.wait_dma2 semaphore(%run_scoped3A : memref<!tpu.dma_semaphore, #tpu.memory_space<semaphore_mem>>) src(%dma_wait3A_208 : memref<200x128xi32, #tpu.memory_space<hbm>>) dst(%arg5 : memref<200x128xi32, #tpu.memory_space<vmem>>)
      tpu.yield
    }) : () -> ()
    %dma_start3A = arith.constant 0 : i32
    %dma_start3A_3 = arith.constant 0 : i32
    %dma_start3A_4 = arith.constant 0 : i32
    %dma_start3A_5 = arith.constant 0 : i32
    %dma_start3A_6 = arith.constant 0 : i32
    %dma_start3A_7 = tpu.memref_slice %arg6[%dma_start3A_3, %dma_start3A_5, %dma_start3A_6] : memref<4x128x128xf32, #tpu.memory_space<vmem>> -> memref<1x128x128xf32, #tpu.memory_space<vmem>>
    %dma_start3A_8 = tpu.memref_squeeze %dma_start3A_7 : memref<1x128x128xf32, #tpu.memory_space<vmem>> -> memref<128x128xf32, #tpu.memory_space<vmem>>
    %dma_start3A_9 = arith.constant 0 : i32
    %dma_start3A_10 = tpu.memref_slice %arg5[%dma_start3A, %dma_start3A_9] : memref<200x128xi32, #tpu.memory_space<vmem>> -> memref<1x128xi32, #tpu.memory_space<vmem>>
    %dma_start3A_11 = tpu.memref_squeeze %dma_start3A_10 : memref<1x128xi32, #tpu.memory_space<vmem>> -> memref<128xi32, #tpu.memory_space<vmem>>
    %dma_start3A_12 = arith.constant 0 : i32
    %dma_start3A_13 = arith.constant 0 : i32
    %dma_start3A_14 = tpu.memref_slice %arg2[%dma_start3A_12, %dma_start3A_13] : memref<100000x128xf32, #tpu.memory_space<hbm>> -> memref<100000x128xf32, #tpu.memory_space<hbm>>
    %dma_start3A_15 = tpu.memref_slice %arg7[%dma_start3A_4] : memref<4x!tpu.dma_semaphore, #tpu.memory_space<semaphore_mem>> -> memref<1x!tpu.dma_semaphore, #tpu.memory_space<semaphore_mem>>
    %dma_start3A_16 = tpu.memref_squeeze %dma_start3A_15 : memref<1x!tpu.dma_semaphore, #tpu.memory_space<semaphore_mem>> -> memref<!tpu.dma_semaphore, #tpu.memory_space<semaphore_mem>>
    tpu.enqueue_indirect_dma source(%dma_start3A_14 : memref<100000x128xf32, #tpu.memory_space<hbm>>) target(%dma_start3A_8 : memref<128x128xf32, #tpu.memory_space<vmem>>) offsets(%dma_start3A_11 : memref<128xi32, #tpu.memory_space<vmem>>) semaphore(%dma_start3A_16 : memref<!tpu.dma_semaphore, #tpu.memory_space<semaphore_mem>>)
    %dma_start3A_17 = arith.constant 1 : i32
    %dma_start3A_18 = arith.constant 1 : i32
    %dma_start3A_19 = arith.constant 1 : i32
    %dma_start3A_20 = arith.constant 0 : i32
    %dma_start3A_21 = arith.constant 0 : i32
    %dma_start3A_22 = tpu.memref_slice %arg6[%dma_start3A_18, %dma_start3A_20, %dma_start3A_21] : memref<4x128x128xf32, #tpu.memory_space<vmem>> -> memref<1x128x128xf32, #tpu.memory_space<vmem>>
    %dma_start3A_23 = tpu.memref_squeeze %dma_start3A_22 : memref<1x128x128xf32, #tpu.memory_space<vmem>> -> memref<128x128xf32, #tpu.memory_space<vmem>>
    %dma_start3A_24 = arith.constant 0 : i32
    %dma_start3A_25 = tpu.memref_slice %arg5[%dma_start3A_17, %dma_start3A_24] : memref<200x128xi32, #tpu.memory_space<vmem>> -> memref<1x128xi32, #tpu.memory_space<vmem>>
    %dma_start3A_26 = tpu.memref_squeeze %dma_start3A_25 : memref<1x128xi32, #tpu.memory_space<vmem>> -> memref<128xi32, #tpu.memory_space<vmem>>
    %dma_start3A_27 = arith.constant 0 : i32
    %dma_start3A_28 = arith.constant 0 : i32
    %dma_start3A_29 = tpu.memref_slice %arg2[%dma_start3A_27, %dma_start3A_28] : memref<100000x128xf32, #tpu.memory_space<hbm>> -> memref<100000x128xf32, #tpu.memory_space<hbm>>
    %dma_start3A_30 = tpu.memref_slice %arg7[%dma_start3A_19] : memref<4x!tpu.dma_semaphore, #tpu.memory_space<semaphore_mem>> -> memref<1x!tpu.dma_semaphore, #tpu.memory_space<semaphore_mem>>
    %dma_start3A_31 = tpu.memref_squeeze %dma_start3A_30 : memref<1x!tpu.dma_semaphore, #tpu.memory_space<semaphore_mem>> -> memref<!tpu.dma_semaphore, #tpu.memory_space<semaphore_mem>>
    tpu.enqueue_indirect_dma source(%dma_start3A_29 : memref<100000x128xf32, #tpu.memory_space<hbm>>) target(%dma_start3A_23 : memref<128x128xf32, #tpu.memory_space<vmem>>) offsets(%dma_start3A_26 : memref<128xi32, #tpu.memory_space<vmem>>) semaphore(%dma_start3A_31 : memref<!tpu.dma_semaphore, #tpu.memory_space<semaphore_mem>>)
    %dma_start3A_32 = arith.constant 2 : i32
    %dma_start3A_33 = arith.constant 2 : i32
    %dma_start3A_34 = arith.constant 2 : i32
    %dma_start3A_35 = arith.constant 0 : i32
    %dma_start3A_36 = arith.constant 0 : i32
    %dma_start3A_37 = tpu.memref_slice %arg6[%dma_start3A_33, %dma_start3A_35, %dma_start3A_36] : memref<4x128x128xf32, #tpu.memory_space<vmem>> -> memref<1x128x128xf32, #tpu.memory_space<vmem>>
    %dma_start3A_38 = tpu.memref_squeeze %dma_start3A_37 : memref<1x128x128xf32, #tpu.memory_space<vmem>> -> memref<128x128xf32, #tpu.memory_space<vmem>>
    %dma_start3A_39 = arith.constant 0 : i32
    %dma_start3A_40 = tpu.memref_slice %arg5[%dma_start3A_32, %dma_start3A_39] : memref<200x128xi32, #tpu.memory_space<vmem>> -> memref<1x128xi32, #tpu.memory_space<vmem>>
    %dma_start3A_41 = tpu.memref_squeeze %dma_start3A_40 : memref<1x128xi32, #tpu.memory_space<vmem>> -> memref<128xi32, #tpu.memory_space<vmem>>
    %dma_start3A_42 = arith.constant 0 : i32
    %dma_start3A_43 = arith.constant 0 : i32
    %dma_start3A_44 = tpu.memref_slice %arg2[%dma_start3A_42, %dma_start3A_43] : memref<100000x128xf32, #tpu.memory_space<hbm>> -> memref<100000x128xf32, #tpu.memory_space<hbm>>
    %dma_start3A_45 = tpu.memref_slice %arg7[%dma_start3A_34] : memref<4x!tpu.dma_semaphore, #tpu.memory_space<semaphore_mem>> -> memref<1x!tpu.dma_semaphore, #tpu.memory_space<semaphore_mem>>
    %dma_start3A_46 = tpu.memref_squeeze %dma_start3A_45 : memref<1x!tpu.dma_semaphore, #tpu.memory_space<semaphore_mem>> -> memref<!tpu.dma_semaphore, #tpu.memory_space<semaphore_mem>>
    tpu.enqueue_indirect_dma source(%dma_start3A_44 : memref<100000x128xf32, #tpu.memory_space<hbm>>) target(%dma_start3A_38 : memref<128x128xf32, #tpu.memory_space<vmem>>) offsets(%dma_start3A_41 : memref<128xi32, #tpu.memory_space<vmem>>) semaphore(%dma_start3A_46 : memref<!tpu.dma_semaphore, #tpu.memory_space<semaphore_mem>>)
    %dma_start3A_47 = arith.constant 3 : i32
    %dma_start3A_48 = arith.constant 3 : i32
    %dma_start3A_49 = arith.constant 3 : i32
    %dma_start3A_50 = arith.constant 0 : i32
    %dma_start3A_51 = arith.constant 0 : i32
    %dma_start3A_52 = tpu.memref_slice %arg6[%dma_start3A_48, %dma_start3A_50, %dma_start3A_51] : memref<4x128x128xf32, #tpu.memory_space<vmem>> -> memref<1x128x128xf32, #tpu.memory_space<vmem>>
    %dma_start3A_53 = tpu.memref_squeeze %dma_start3A_52 : memref<1x128x128xf32, #tpu.memory_space<vmem>> -> memref<128x128xf32, #tpu.memory_space<vmem>>
    %dma_start3A_54 = arith.constant 0 : i32
    %dma_start3A_55 = tpu.memref_slice %arg5[%dma_start3A_47, %dma_start3A_54] : memref<200x128xi32, #tpu.memory_space<vmem>> -> memref<1x128xi32, #tpu.memory_space<vmem>>
    %dma_start3A_56 = tpu.memref_squeeze %dma_start3A_55 : memref<1x128xi32, #tpu.memory_space<vmem>> -> memref<128xi32, #tpu.memory_space<vmem>>
    %dma_start3A_57 = arith.constant 0 : i32
    %dma_start3A_58 = arith.constant 0 : i32
    %dma_start3A_59 = tpu.memref_slice %arg2[%dma_start3A_57, %dma_start3A_58] : memref<100000x128xf32, #tpu.memory_space<hbm>> -> memref<100000x128xf32, #tpu.memory_space<hbm>>
    %dma_start3A_60 = tpu.memref_slice %arg7[%dma_start3A_49] : memref<4x!tpu.dma_semaphore, #tpu.memory_space<semaphore_mem>> -> memref<1x!tpu.dma_semaphore, #tpu.memory_space<semaphore_mem>>
    %dma_start3A_61 = tpu.memref_squeeze %dma_start3A_60 : memref<1x!tpu.dma_semaphore, #tpu.memory_space<semaphore_mem>> -> memref<!tpu.dma_semaphore, #tpu.memory_space<semaphore_mem>>
    tpu.enqueue_indirect_dma source(%dma_start3A_59 : memref<100000x128xf32, #tpu.memory_space<hbm>>) target(%dma_start3A_53 : memref<128x128xf32, #tpu.memory_space<vmem>>) offsets(%dma_start3A_56 : memref<128xi32, #tpu.memory_space<vmem>>) semaphore(%dma_start3A_61 : memref<!tpu.dma_semaphore, #tpu.memory_space<semaphore_mem>>)
    %scan3A = arith.constant 0 : i32
    %scan3A_62 = arith.constant 49 : i32
    %scan3A_63 = arith.addi %scan3A, %scan3A_62 : i32
    %scan3A_64 = arith.constant 1 : i32
    scf.for %scan3A_201 = %scan3A to %scan3A_63 step %scan3A_64  : i32 {
      %mul3A_202 = arith.constant 4 : i32
      %mul3A_203 = arith.muli %scan3A_201, %mul3A_202 : i32
      %add3A_204 = arith.constant 0 : i32
      %add3A_205 = arith.addi %add3A_204, %mul3A_203 : i32
      %add3A_206 = arith.constant 0 : i32
      %add3A_207 = arith.addi %add3A_205, %add3A_206 : i32
      %add3A_208 = arith.constant 0 : i32
      %add3A_209 = arith.addi %add3A_207, %add3A_208 : i32
      %dma_wait3A_210 = arith.constant 0 : i32
      %dma_wait3A_211 = arith.constant 0 : i32
      %dma_wait3A_212 = arith.constant 0 : i32
      %dma_wait3A_213 = arith.constant 0 : i32
      %dma_wait3A_214 = tpu.memref_slice %arg6[%dma_wait3A_210, %dma_wait3A_212, %dma_wait3A_213] : memref<4x128x128xf32, #tpu.memory_space<vmem>> -> memref<1x128x128xf32, #tpu.memory_space<vmem>>
      %dma_wait3A_215 = tpu.memref_squeeze %dma_wait3A_214 : memref<1x128x128xf32, #tpu.memory_space<vmem>> -> memref<128x128xf32, #tpu.memory_space<vmem>>
      %dma_wait3A_216 = arith.constant 0 : i32
      %dma_wait3A_217 = tpu.memref_slice %arg5[%add3A_209, %dma_wait3A_216] : memref<200x128xi32, #tpu.memory_space<vmem>> -> memref<1x128xi32, #tpu.memory_space<vmem>>
      %dma_wait3A_218 = tpu.memref_squeeze %dma_wait3A_217 : memref<1x128xi32, #tpu.memory_space<vmem>> -> memref<128xi32, #tpu.memory_space<vmem>>
      %dma_wait3A_219 = arith.constant 0 : i32
      %dma_wait3A_220 = arith.constant 0 : i32
      %dma_wait3A_221 = tpu.memref_slice %arg2[%dma_wait3A_219, %dma_wait3A_220] : memref<100000x128xf32, #tpu.memory_space<hbm>> -> memref<100000x128xf32, #tpu.memory_space<hbm>>
      %dma_wait3A_222 = tpu.memref_slice %arg7[%dma_wait3A_211] : memref<4x!tpu.dma_semaphore, #tpu.memory_space<semaphore_mem>> -> memref<1x!tpu.dma_semaphore, #tpu.memory_space<semaphore_mem>>
      %dma_wait3A_223 = tpu.memref_squeeze %dma_wait3A_222 : memref<1x!tpu.dma_semaphore, #tpu.memory_space<semaphore_mem>> -> memref<!tpu.dma_semaphore, #tpu.memory_space<semaphore_mem>>
      tpu.wait_indirect_dma semaphore(%dma_wait3A_223 : memref<!tpu.dma_semaphore, #tpu.memory_space<semaphore_mem>>) src(%dma_wait3A_221 : memref<100000x128xf32, #tpu.memory_space<hbm>>) dst(%dma_wait3A_215 : memref<128x128xf32, #tpu.memory_space<vmem>>)
      %add3A_224 = arith.constant 1 : i32
      %add3A_225 = arith.addi %add3A_207, %add3A_224 : i32
      %dma_wait3A_226 = arith.constant 1 : i32
      %dma_wait3A_227 = arith.constant 1 : i32
      %dma_wait3A_228 = arith.constant 0 : i32
      %dma_wait3A_229 = arith.constant 0 : i32
      %dma_wait3A_230 = tpu.memref_slice %arg6[%dma_wait3A_226, %dma_wait3A_228, %dma_wait3A_229] : memref<4x128x128xf32, #tpu.memory_space<vmem>> -> memref<1x128x128xf32, #tpu.memory_space<vmem>>
      %dma_wait3A_231 = tpu.memref_squeeze %dma_wait3A_230 : memref<1x128x128xf32, #tpu.memory_space<vmem>> -> memref<128x128xf32, #tpu.memory_space<vmem>>
      %dma_wait3A_232 = arith.constant 0 : i32
      %dma_wait3A_233 = tpu.memref_slice %arg5[%add3A_225, %dma_wait3A_232] : memref<200x128xi32, #tpu.memory_space<vmem>> -> memref<1x128xi32, #tpu.memory_space<vmem>>
      %dma_wait3A_234 = tpu.memref_squeeze %dma_wait3A_233 : memref<1x128xi32, #tpu.memory_space<vmem>> -> memref<128xi32, #tpu.memory_space<vmem>>
      %dma_wait3A_235 = arith.constant 0 : i32
      %dma_wait3A_236 = arith.constant 0 : i32
      %dma_wait3A_237 = tpu.memref_slice %arg2[%dma_wait3A_235, %dma_wait3A_236] : memref<100000x128xf32, #tpu.memory_space<hbm>> -> memref<100000x128xf32, #tpu.memory_space<hbm>>
      %dma_wait3A_238 = tpu.memref_slice %arg7[%dma_wait3A_227] : memref<4x!tpu.dma_semaphore, #tpu.memory_space<semaphore_mem>> -> memref<1x!tpu.dma_semaphore, #tpu.memory_space<semaphore_mem>>
      %dma_wait3A_239 = tpu.memref_squeeze %dma_wait3A_238 : memref<1x!tpu.dma_semaphore, #tpu.memory_space<semaphore_mem>> -> memref<!tpu.dma_semaphore, #tpu.memory_space<semaphore_mem>>
      tpu.wait_indirect_dma semaphore(%dma_wait3A_239 : memref<!tpu.dma_semaphore, #tpu.memory_space<semaphore_mem>>) src(%dma_wait3A_237 : memref<100000x128xf32, #tpu.memory_space<hbm>>) dst(%dma_wait3A_231 : memref<128x128xf32, #tpu.memory_space<vmem>>)
      %add3A_240 = arith.addi %mul3A_2, %add3A_207 : i32
      %dma_start3A_241 = arith.constant 0 : i32
      %dma_start3A_242 = arith.constant 0 : i32
      %dma_start3A_243 = arith.constant 0 : i32
      %dma_start3A_244 = arith.constant 0 : i32
      %dma_start3A_245 = tpu.memref_slice %arg6[%dma_start3A_242, %dma_start3A_243, %dma_start3A_244] : memref<4x128x128xf32, #tpu.memory_space<vmem>> -> memref<2x128x128xf32, #tpu.memory_space<vmem>>
      %dma_start3A_246 = arith.constant 0 : i32
      %dma_start3A_247 = arith.constant 0 : i32
      %dma_start3A_248 = tpu.memref_slice %arg4[%add3A_240, %dma_start3A_246, %dma_start3A_247] : memref<6400x128x128xf32, #tpu.memory_space<hbm>> -> memref<2x128x128xf32, #tpu.memory_space<hbm>>
      %dma_start3A_249 = tpu.memref_slice %arg8[%dma_start3A_241] : memref<2x!tpu.dma_semaphore, #tpu.memory_space<semaphore_mem>> -> memref<1x!tpu.dma_semaphore, #tpu.memory_space<semaphore_mem>>
      %dma_start3A_250 = tpu.memref_squeeze %dma_start3A_249 : memref<1x!tpu.dma_semaphore, #tpu.memory_space<semaphore_mem>> -> memref<!tpu.dma_semaphore, #tpu.memory_space<semaphore_mem>>
      %dma_start3A_251 = arith.constant 0 : i32
      %dma_start3A_252 = arith.constant 0 : i32
      %dma_start3A_253 = tpu.memref_slice %arg4[%add3A_240, %dma_start3A_251, %dma_start3A_252] : memref<6400x128x128xf32, #tpu.memory_space<hbm>> -> memref<2x128x128xf32, #tpu.memory_space<hbm>>
      %dma_start3A_254 = arith.constant 0 : i32
      %dma_start3A_255 = arith.constant 0 : i32
      %dma_start3A_256 = arith.constant 0 : i32
      %dma_start3A_257 = tpu.memref_slice %arg6[%dma_start3A_254, %dma_start3A_255, %dma_start3A_256] : memref<4x128x128xf32, #tpu.memory_space<vmem>> -> memref<2x128x128xf32, #tpu.memory_space<vmem>>
      tpu.enqueue_dma source(%dma_start3A_257 : memref<2x128x128xf32, #tpu.memory_space<vmem>>) target(%dma_start3A_253 : memref<2x128x128xf32, #tpu.memory_space<hbm>>) target_semaphore(%dma_start3A_250 : memref<!tpu.dma_semaphore, #tpu.memory_space<semaphore_mem>>)
      %add3A_258 = arith.addi %mul3A_2, %add3A_207 : i32
      %dma_wait3A_259 = arith.constant 0 : i32
      %dma_wait3A_260 = arith.constant 0 : i32
      %dma_wait3A_261 = arith.constant 0 : i32
      %dma_wait3A_262 = arith.constant 0 : i32
      %dma_wait3A_263 = tpu.memref_slice %arg6[%dma_wait3A_260, %dma_wait3A_261, %dma_wait3A_262] : memref<4x128x128xf32, #tpu.memory_space<vmem>> -> memref<2x128x128xf32, #tpu.memory_space<vmem>>
      %dma_wait3A_264 = arith.constant 0 : i32
      %dma_wait3A_265 = arith.constant 0 : i32
      %dma_wait3A_266 = tpu.memref_slice %arg4[%add3A_258, %dma_wait3A_264, %dma_wait3A_265] : memref<6400x128x128xf32, #tpu.memory_space<hbm>> -> memref<2x128x128xf32, #tpu.memory_space<hbm>>
      %dma_wait3A_267 = tpu.memref_slice %arg8[%dma_wait3A_259] : memref<2x!tpu.dma_semaphore, #tpu.memory_space<semaphore_mem>> -> memref<1x!tpu.dma_semaphore, #tpu.memory_space<semaphore_mem>>
      %dma_wait3A_268 = tpu.memref_squeeze %dma_wait3A_267 : memref<1x!tpu.dma_semaphore, #tpu.memory_space<semaphore_mem>> -> memref<!tpu.dma_semaphore, #tpu.memory_space<semaphore_mem>>
      %dma_wait3A_269 = arith.constant 0 : i32
      %dma_wait3A_270 = arith.constant 0 : i32
      %dma_wait3A_271 = tpu.memref_slice %arg4[%add3A_258, %dma_wait3A_269, %dma_wait3A_270] : memref<6400x128x128xf32, #tpu.memory_space<hbm>> -> memref<2x128x128xf32, #tpu.memory_space<hbm>>
      %dma_wait3A_272 = arith.constant 0 : i32
      %dma_wait3A_273 = arith.constant 0 : i32
      %dma_wait3A_274 = arith.constant 0 : i32
      %dma_wait3A_275 = tpu.memref_slice %arg6[%dma_wait3A_272, %dma_wait3A_273, %dma_wait3A_274] : memref<4x128x128xf32, #tpu.memory_space<vmem>> -> memref<2x128x128xf32, #tpu.memory_space<vmem>>
      tpu.wait_dma2 semaphore(%dma_wait3A_268 : memref<!tpu.dma_semaphore, #tpu.memory_space<semaphore_mem>>) src(%dma_wait3A_275 : memref<2x128x128xf32, #tpu.memory_space<vmem>>) dst(%dma_wait3A_271 : memref<2x128x128xf32, #tpu.memory_space<hbm>>)
      %add3A_276 = arith.constant 4 : i32
      %add3A_277 = arith.addi %add3A_207, %add3A_276 : i32
      %add3A_278 = arith.constant 0 : i32
      %add3A_279 = arith.addi %add3A_277, %add3A_278 : i32
      %dma_start3A_280 = arith.constant 0 : i32
      %dma_start3A_281 = arith.constant 0 : i32
      %dma_start3A_282 = arith.constant 0 : i32
      %dma_start3A_283 = arith.constant 0 : i32
      %dma_start3A_284 = tpu.memref_slice %arg6[%dma_start3A_280, %dma_start3A_282, %dma_start3A_283] : memref<4x128x128xf32, #tpu.memory_space<vmem>> -> memref<1x128x128xf32, #tpu.memory_space<vmem>>
      %dma_start3A_285 = tpu.memref_squeeze %dma_start3A_284 : memref<1x128x128xf32, #tpu.memory_space<vmem>> -> memref<128x128xf32, #tpu.memory_space<vmem>>
      %dma_start3A_286 = arith.constant 0 : i32
      %dma_start3A_287 = tpu.memref_slice %arg5[%add3A_279, %dma_start3A_286] : memref<200x128xi32, #tpu.memory_space<vmem>> -> memref<1x128xi32, #tpu.memory_space<vmem>>
      %dma_start3A_288 = tpu.memref_squeeze %dma_start3A_287 : memref<1x128xi32, #tpu.memory_space<vmem>> -> memref<128xi32, #tpu.memory_space<vmem>>
      %dma_start3A_289 = arith.constant 0 : i32
      %dma_start3A_290 = arith.constant 0 : i32
      %dma_start3A_291 = tpu.memref_slice %arg2[%dma_start3A_289, %dma_start3A_290] : memref<100000x128xf32, #tpu.memory_space<hbm>> -> memref<100000x128xf32, #tpu.memory_space<hbm>>
      %dma_start3A_292 = tpu.memref_slice %arg7[%dma_start3A_281] : memref<4x!tpu.dma_semaphore, #tpu.memory_space<semaphore_mem>> -> memref<1x!tpu.dma_semaphore, #tpu.memory_space<semaphore_mem>>
      %dma_start3A_293 = tpu.memref_squeeze %dma_start3A_292 : memref<1x!tpu.dma_semaphore, #tpu.memory_space<semaphore_mem>> -> memref<!tpu.dma_semaphore, #tpu.memory_space<semaphore_mem>>
      tpu.enqueue_indirect_dma source(%dma_start3A_291 : memref<100000x128xf32, #tpu.memory_space<hbm>>) target(%dma_start3A_285 : memref<128x128xf32, #tpu.memory_space<vmem>>) offsets(%dma_start3A_288 : memref<128xi32, #tpu.memory_space<vmem>>) semaphore(%dma_start3A_293 : memref<!tpu.dma_semaphore, #tpu.memory_space<semaphore_mem>>)
      %add3A_294 = arith.constant 4 : i32
      %add3A_295 = arith.addi %add3A_207, %add3A_294 : i32
      %add3A_296 = arith.constant 1 : i32
      %add3A_297 = arith.addi %add3A_295, %add3A_296 : i32
      %dma_start3A_298 = arith.constant 1 : i32
      %dma_start3A_299 = arith.constant 1 : i32
      %dma_start3A_300 = arith.constant 0 : i32
      %dma_start3A_301 = arith.constant 0 : i32
      %dma_start3A_302 = tpu.memref_slice %arg6[%dma_start3A_298, %dma_start3A_300, %dma_start3A_301] : memref<4x128x128xf32, #tpu.memory_space<vmem>> -> memref<1x128x128xf32, #tpu.memory_space<vmem>>
      %dma_start3A_303 = tpu.memref_squeeze %dma_start3A_302 : memref<1x128x128xf32, #tpu.memory_space<vmem>> -> memref<128x128xf32, #tpu.memory_space<vmem>>
      %dma_start3A_304 = arith.constant 0 : i32
      %dma_start3A_305 = tpu.memref_slice %arg5[%add3A_297, %dma_start3A_304] : memref<200x128xi32, #tpu.memory_space<vmem>> -> memref<1x128xi32, #tpu.memory_space<vmem>>
      %dma_start3A_306 = tpu.memref_squeeze %dma_start3A_305 : memref<1x128xi32, #tpu.memory_space<vmem>> -> memref<128xi32, #tpu.memory_space<vmem>>
      %dma_start3A_307 = arith.constant 0 : i32
      %dma_start3A_308 = arith.constant 0 : i32
      %dma_start3A_309 = tpu.memref_slice %arg2[%dma_start3A_307, %dma_start3A_308] : memref<100000x128xf32, #tpu.memory_space<hbm>> -> memref<100000x128xf32, #tpu.memory_space<hbm>>
      %dma_start3A_310 = tpu.memref_slice %arg7[%dma_start3A_299] : memref<4x!tpu.dma_semaphore, #tpu.memory_space<semaphore_mem>> -> memref<1x!tpu.dma_semaphore, #tpu.memory_space<semaphore_mem>>
      %dma_start3A_311 = tpu.memref_squeeze %dma_start3A_310 : memref<1x!tpu.dma_semaphore, #tpu.memory_space<semaphore_mem>> -> memref<!tpu.dma_semaphore, #tpu.memory_space<semaphore_mem>>
      tpu.enqueue_indirect_dma source(%dma_start3A_309 : memref<100000x128xf32, #tpu.memory_space<hbm>>) target(%dma_start3A_303 : memref<128x128xf32, #tpu.memory_space<vmem>>) offsets(%dma_start3A_306 : memref<128xi32, #tpu.memory_space<vmem>>) semaphore(%dma_start3A_311 : memref<!tpu.dma_semaphore, #tpu.memory_space<semaphore_mem>>)
      %add3A_312 = arith.constant 2 : i32
      %add3A_313 = arith.addi %add3A_205, %add3A_312 : i32
      %add3A_314 = arith.constant 0 : i32
      %add3A_315 = arith.addi %add3A_313, %add3A_314 : i32
      %dma_wait3A_316 = arith.constant 2 : i32
      %dma_wait3A_317 = arith.constant 2 : i32
      %dma_wait3A_318 = arith.constant 0 : i32
      %dma_wait3A_319 = arith.constant 0 : i32
      %dma_wait3A_320 = tpu.memref_slice %arg6[%dma_wait3A_316, %dma_wait3A_318, %dma_wait3A_319] : memref<4x128x128xf32, #tpu.memory_space<vmem>> -> memref<1x128x128xf32, #tpu.memory_space<vmem>>
      %dma_wait3A_321 = tpu.memref_squeeze %dma_wait3A_320 : memref<1x128x128xf32, #tpu.memory_space<vmem>> -> memref<128x128xf32, #tpu.memory_space<vmem>>
      %dma_wait3A_322 = arith.constant 0 : i32
      %dma_wait3A_323 = tpu.memref_slice %arg5[%add3A_315, %dma_wait3A_322] : memref<200x128xi32, #tpu.memory_space<vmem>> -> memref<1x128xi32, #tpu.memory_space<vmem>>
      %dma_wait3A_324 = tpu.memref_squeeze %dma_wait3A_323 : memref<1x128xi32, #tpu.memory_space<vmem>> -> memref<128xi32, #tpu.memory_space<vmem>>
      %dma_wait3A_325 = arith.constant 0 : i32
      %dma_wait3A_326 = arith.constant 0 : i32
      %dma_wait3A_327 = tpu.memref_slice %arg2[%dma_wait3A_325, %dma_wait3A_326] : memref<100000x128xf32, #tpu.memory_space<hbm>> -> memref<100000x128xf32, #tpu.memory_space<hbm>>
      %dma_wait3A_328 = tpu.memref_slice %arg7[%dma_wait3A_317] : memref<4x!tpu.dma_semaphore, #tpu.memory_space<semaphore_mem>> -> memref<1x!tpu.dma_semaphore, #tpu.memory_space<semaphore_mem>>
      %dma_wait3A_329 = tpu.memref_squeeze %dma_wait3A_328 : memref<1x!tpu.dma_semaphore, #tpu.memory_space<semaphore_mem>> -> memref<!tpu.dma_semaphore, #tpu.memory_space<semaphore_mem>>
      tpu.wait_indirect_dma semaphore(%dma_wait3A_329 : memref<!tpu.dma_semaphore, #tpu.memory_space<semaphore_mem>>) src(%dma_wait3A_327 : memref<100000x128xf32, #tpu.memory_space<hbm>>) dst(%dma_wait3A_321 : memref<128x128xf32, #tpu.memory_space<vmem>>)
      %add3A_330 = arith.constant 1 : i32
      %add3A_331 = arith.addi %add3A_313, %add3A_330 : i32
      %dma_wait3A_332 = arith.constant 3 : i32
      %dma_wait3A_333 = arith.constant 3 : i32
      %dma_wait3A_334 = arith.constant 0 : i32
      %dma_wait3A_335 = arith.constant 0 : i32
      %dma_wait3A_336 = tpu.memref_slice %arg6[%dma_wait3A_332, %dma_wait3A_334, %dma_wait3A_335] : memref<4x128x128xf32, #tpu.memory_space<vmem>> -> memref<1x128x128xf32, #tpu.memory_space<vmem>>
      %dma_wait3A_337 = tpu.memref_squeeze %dma_wait3A_336 : memref<1x128x128xf32, #tpu.memory_space<vmem>> -> memref<128x128xf32, #tpu.memory_space<vmem>>
      %dma_wait3A_338 = arith.constant 0 : i32
      %dma_wait3A_339 = tpu.memref_slice %arg5[%add3A_331, %dma_wait3A_338] : memref<200x128xi32, #tpu.memory_space<vmem>> -> memref<1x128xi32, #tpu.memory_space<vmem>>
      %dma_wait3A_340 = tpu.memref_squeeze %dma_wait3A_339 : memref<1x128xi32, #tpu.memory_space<vmem>> -> memref<128xi32, #tpu.memory_space<vmem>>
      %dma_wait3A_341 = arith.constant 0 : i32
      %dma_wait3A_342 = arith.constant 0 : i32
      %dma_wait3A_343 = tpu.memref_slice %arg2[%dma_wait3A_341, %dma_wait3A_342] : memref<100000x128xf32, #tpu.memory_space<hbm>> -> memref<100000x128xf32, #tpu.memory_space<hbm>>
      %dma_wait3A_344 = tpu.memref_slice %arg7[%dma_wait3A_333] : memref<4x!tpu.dma_semaphore, #tpu.memory_space<semaphore_mem>> -> memref<1x!tpu.dma_semaphore, #tpu.memory_space<semaphore_mem>>
      %dma_wait3A_345 = tpu.memref_squeeze %dma_wait3A_344 : memref<1x!tpu.dma_semaphore, #tpu.memory_space<semaphore_mem>> -> memref<!tpu.dma_semaphore, #tpu.memory_space<semaphore_mem>>
      tpu.wait_indirect_dma semaphore(%dma_wait3A_345 : memref<!tpu.dma_semaphore, #tpu.memory_space<semaphore_mem>>) src(%dma_wait3A_343 : memref<100000x128xf32, #tpu.memory_space<hbm>>) dst(%dma_wait3A_337 : memref<128x128xf32, #tpu.memory_space<vmem>>)
      %add3A_346 = arith.addi %mul3A_2, %add3A_313 : i32
      %dma_start3A_347 = arith.constant 1 : i32
      %dma_start3A_348 = arith.constant 2 : i32
      %dma_start3A_349 = arith.constant 0 : i32
      %dma_start3A_350 = arith.constant 0 : i32
      %dma_start3A_351 = tpu.memref_slice %arg6[%dma_start3A_348, %dma_start3A_349, %dma_start3A_350] : memref<4x128x128xf32, #tpu.memory_space<vmem>> -> memref<2x128x128xf32, #tpu.memory_space<vmem>>
      %dma_start3A_352 = arith.constant 0 : i32
      %dma_start3A_353 = arith.constant 0 : i32
      %dma_start3A_354 = tpu.memref_slice %arg4[%add3A_346, %dma_start3A_352, %dma_start3A_353] : memref<6400x128x128xf32, #tpu.memory_space<hbm>> -> memref<2x128x128xf32, #tpu.memory_space<hbm>>
      %dma_start3A_355 = tpu.memref_slice %arg8[%dma_start3A_347] : memref<2x!tpu.dma_semaphore, #tpu.memory_space<semaphore_mem>> -> memref<1x!tpu.dma_semaphore, #tpu.memory_space<semaphore_mem>>
      %dma_start3A_356 = tpu.memref_squeeze %dma_start3A_355 : memref<1x!tpu.dma_semaphore, #tpu.memory_space<semaphore_mem>> -> memref<!tpu.dma_semaphore, #tpu.memory_space<semaphore_mem>>
      %dma_start3A_357 = arith.constant 0 : i32
      %dma_start3A_358 = arith.constant 0 : i32
      %dma_start3A_359 = tpu.memref_slice %arg4[%add3A_346, %dma_start3A_357, %dma_start3A_358] : memref<6400x128x128xf32, #tpu.memory_space<hbm>> -> memref<2x128x128xf32, #tpu.memory_space<hbm>>
      %dma_start3A_360 = arith.constant 2 : i32
      %dma_start3A_361 = arith.constant 0 : i32
      %dma_start3A_362 = arith.constant 0 : i32
      %dma_start3A_363 = tpu.memref_slice %arg6[%dma_start3A_360, %dma_start3A_361, %dma_start3A_362] : memref<4x128x128xf32, #tpu.memory_space<vmem>> -> memref<2x128x128xf32, #tpu.memory_space<vmem>>
      tpu.enqueue_dma source(%dma_start3A_363 : memref<2x128x128xf32, #tpu.memory_space<vmem>>) target(%dma_start3A_359 : memref<2x128x128xf32, #tpu.memory_space<hbm>>) target_semaphore(%dma_start3A_356 : memref<!tpu.dma_semaphore, #tpu.memory_space<semaphore_mem>>)
      %add3A_364 = arith.addi %mul3A_2, %add3A_313 : i32
      %dma_wait3A_365 = arith.constant 1 : i32
      %dma_wait3A_366 = arith.constant 2 : i32
      %dma_wait3A_367 = arith.constant 0 : i32
      %dma_wait3A_368 = arith.constant 0 : i32
      %dma_wait3A_369 = tpu.memref_slice %arg6[%dma_wait3A_366, %dma_wait3A_367, %dma_wait3A_368] : memref<4x128x128xf32, #tpu.memory_space<vmem>> -> memref<2x128x128xf32, #tpu.memory_space<vmem>>
      %dma_wait3A_370 = arith.constant 0 : i32
      %dma_wait3A_371 = arith.constant 0 : i32
      %dma_wait3A_372 = tpu.memref_slice %arg4[%add3A_364, %dma_wait3A_370, %dma_wait3A_371] : memref<6400x128x128xf32, #tpu.memory_space<hbm>> -> memref<2x128x128xf32, #tpu.memory_space<hbm>>
      %dma_wait3A_373 = tpu.memref_slice %arg8[%dma_wait3A_365] : memref<2x!tpu.dma_semaphore, #tpu.memory_space<semaphore_mem>> -> memref<1x!tpu.dma_semaphore, #tpu.memory_space<semaphore_mem>>
      %dma_wait3A_374 = tpu.memref_squeeze %dma_wait3A_373 : memref<1x!tpu.dma_semaphore, #tpu.memory_space<semaphore_mem>> -> memref<!tpu.dma_semaphore, #tpu.memory_space<semaphore_mem>>
      %dma_wait3A_375 = arith.constant 0 : i32
      %dma_wait3A_376 = arith.constant 0 : i32
      %dma_wait3A_377 = tpu.memref_slice %arg4[%add3A_364, %dma_wait3A_375, %dma_wait3A_376] : memref<6400x128x128xf32, #tpu.memory_space<hbm>> -> memref<2x128x128xf32, #tpu.memory_space<hbm>>
      %dma_wait3A_378 = arith.constant 2 : i32
      %dma_wait3A_379 = arith.constant 0 : i32
      %dma_wait3A_380 = arith.constant 0 : i32
      %dma_wait3A_381 = tpu.memref_slice %arg6[%dma_wait3A_378, %dma_wait3A_379, %dma_wait3A_380] : memref<4x128x128xf32, #tpu.memory_space<vmem>> -> memref<2x128x128xf32, #tpu.memory_space<vmem>>
      tpu.wait_dma2 semaphore(%dma_wait3A_374 : memref<!tpu.dma_semaphore, #tpu.memory_space<semaphore_mem>>) src(%dma_wait3A_381 : memref<2x128x128xf32, #tpu.memory_space<vmem>>) dst(%dma_wait3A_377 : memref<2x128x128xf32, #tpu.memory_space<hbm>>)
      %add3A_382 = arith.constant 4 : i32
      %add3A_383 = arith.addi %add3A_313, %add3A_382 : i32
      %add3A_384 = arith.constant 0 : i32
      %add3A_385 = arith.addi %add3A_383, %add3A_384 : i32
      %dma_start3A_386 = arith.constant 2 : i32
      %dma_start3A_387 = arith.constant 2 : i32
      %dma_start3A_388 = arith.constant 0 : i32
      %dma_start3A_389 = arith.constant 0 : i32
      %dma_start3A_390 = tpu.memref_slice %arg6[%dma_start3A_386, %dma_start3A_388, %dma_start3A_389] : memref<4x128x128xf32, #tpu.memory_space<vmem>> -> memref<1x128x128xf32, #tpu.memory_space<vmem>>
      %dma_start3A_391 = tpu.memref_squeeze %dma_start3A_390 : memref<1x128x128xf32, #tpu.memory_space<vmem>> -> memref<128x128xf32, #tpu.memory_space<vmem>>
      %dma_start3A_392 = arith.constant 0 : i32
      %dma_start3A_393 = tpu.memref_slice %arg5[%add3A_385, %dma_start3A_392] : memref<200x128xi32, #tpu.memory_space<vmem>> -> memref<1x128xi32, #tpu.memory_space<vmem>>
      %dma_start3A_394 = tpu.memref_squeeze %dma_start3A_393 : memref<1x128xi32, #tpu.memory_space<vmem>> -> memref<128xi32, #tpu.memory_space<vmem>>
      %dma_start3A_395 = arith.constant 0 : i32
      %dma_start3A_396 = arith.constant 0 : i32
      %dma_start3A_397 = tpu.memref_slice %arg2[%dma_start3A_395, %dma_start3A_396] : memref<100000x128xf32, #tpu.memory_space<hbm>> -> memref<100000x128xf32, #tpu.memory_space<hbm>>
      %dma_start3A_398 = tpu.memref_slice %arg7[%dma_start3A_387] : memref<4x!tpu.dma_semaphore, #tpu.memory_space<semaphore_mem>> -> memref<1x!tpu.dma_semaphore, #tpu.memory_space<semaphore_mem>>
      %dma_start3A_399 = tpu.memref_squeeze %dma_start3A_398 : memref<1x!tpu.dma_semaphore, #tpu.memory_space<semaphore_mem>> -> memref<!tpu.dma_semaphore, #tpu.memory_space<semaphore_mem>>
      tpu.enqueue_indirect_dma source(%dma_start3A_397 : memref<100000x128xf32, #tpu.memory_space<hbm>>) target(%dma_start3A_391 : memref<128x128xf32, #tpu.memory_space<vmem>>) offsets(%dma_start3A_394 : memref<128xi32, #tpu.memory_space<vmem>>) semaphore(%dma_start3A_399 : memref<!tpu.dma_semaphore, #tpu.memory_space<semaphore_mem>>)
      %add3A_400 = arith.constant 4 : i32
      %add3A_401 = arith.addi %add3A_313, %add3A_400 : i32
      %add3A_402 = arith.constant 1 : i32
      %add3A_403 = arith.addi %add3A_401, %add3A_402 : i32
      %dma_start3A_404 = arith.constant 3 : i32
      %dma_start3A_405 = arith.constant 3 : i32
      %dma_start3A_406 = arith.constant 0 : i32
      %dma_start3A_407 = arith.constant 0 : i32
      %dma_start3A_408 = tpu.memref_slice %arg6[%dma_start3A_404, %dma_start3A_406, %dma_start3A_407] : memref<4x128x128xf32, #tpu.memory_space<vmem>> -> memref<1x128x128xf32, #tpu.memory_space<vmem>>
      %dma_start3A_409 = tpu.memref_squeeze %dma_start3A_408 : memref<1x128x128xf32, #tpu.memory_space<vmem>> -> memref<128x128xf32, #tpu.memory_space<vmem>>
      %dma_start3A_410 = arith.constant 0 : i32
      %dma_start3A_411 = tpu.memref_slice %arg5[%add3A_403, %dma_start3A_410] : memref<200x128xi32, #tpu.memory_space<vmem>> -> memref<1x128xi32, #tpu.memory_space<vmem>>
      %dma_start3A_412 = tpu.memref_squeeze %dma_start3A_411 : memref<1x128xi32, #tpu.memory_space<vmem>> -> memref<128xi32, #tpu.memory_space<vmem>>
      %dma_start3A_413 = arith.constant 0 : i32
      %dma_start3A_414 = arith.constant 0 : i32
      %dma_start3A_415 = tpu.memref_slice %arg2[%dma_start3A_413, %dma_start3A_414] : memref<100000x128xf32, #tpu.memory_space<hbm>> -> memref<100000x128xf32, #tpu.memory_space<hbm>>
      %dma_start3A_416 = tpu.memref_slice %arg7[%dma_start3A_405] : memref<4x!tpu.dma_semaphore, #tpu.memory_space<semaphore_mem>> -> memref<1x!tpu.dma_semaphore, #tpu.memory_space<semaphore_mem>>
      %dma_start3A_417 = tpu.memref_squeeze %dma_start3A_416 : memref<1x!tpu.dma_semaphore, #tpu.memory_space<semaphore_mem>> -> memref<!tpu.dma_semaphore, #tpu.memory_space<semaphore_mem>>
      tpu.enqueue_indirect_dma source(%dma_start3A_415 : memref<100000x128xf32, #tpu.memory_space<hbm>>) target(%dma_start3A_409 : memref<128x128xf32, #tpu.memory_space<vmem>>) offsets(%dma_start3A_412 : memref<128xi32, #tpu.memory_space<vmem>>) semaphore(%dma_start3A_417 : memref<!tpu.dma_semaphore, #tpu.memory_space<semaphore_mem>>)
    }
    %scan3A_65 = arith.constant 49 : i32
    %dma_wait3A = arith.constant 196 : i32
    %dma_wait3A_66 = arith.constant 0 : i32
    %dma_wait3A_67 = arith.constant 0 : i32
    %dma_wait3A_68 = arith.constant 0 : i32
    %dma_wait3A_69 = arith.constant 0 : i32
    %dma_wait3A_70 = tpu.memref_slice %arg6[%dma_wait3A_66, %dma_wait3A_68, %dma_wait3A_69] : memref<4x128x128xf32, #tpu.memory_space<vmem>> -> memref<1x128x128xf32, #tpu.memory_space<vmem>>
    %dma_wait3A_71 = tpu.memref_squeeze %dma_wait3A_70 : memref<1x128x128xf32, #tpu.memory_space<vmem>> -> memref<128x128xf32, #tpu.memory_space<vmem>>
    %dma_wait3A_72 = arith.constant 0 : i32
    %dma_wait3A_73 = tpu.memref_slice %arg5[%dma_wait3A, %dma_wait3A_72] : memref<200x128xi32, #tpu.memory_space<vmem>> -> memref<1x128xi32, #tpu.memory_space<vmem>>
    %dma_wait3A_74 = tpu.memref_squeeze %dma_wait3A_73 : memref<1x128xi32, #tpu.memory_space<vmem>> -> memref<128xi32, #tpu.memory_space<vmem>>
    %dma_wait3A_75 = arith.constant 0 : i32
    %dma_wait3A_76 = arith.constant 0 : i32
    %dma_wait3A_77 = tpu.memref_slice %arg2[%dma_wait3A_75, %dma_wait3A_76] : memref<100000x128xf32, #tpu.memory_space<hbm>> -> memref<100000x128xf32, #tpu.memory_space<hbm>>
    %dma_wait3A_78 = tpu.memref_slice %arg7[%dma_wait3A_67] : memref<4x!tpu.dma_semaphore, #tpu.memory_space<semaphore_mem>> -> memref<1x!tpu.dma_semaphore, #tpu.memory_space<semaphore_mem>>
    %dma_wait3A_79 = tpu.memref_squeeze %dma_wait3A_78 : memref<1x!tpu.dma_semaphore, #tpu.memory_space<semaphore_mem>> -> memref<!tpu.dma_semaphore, #tpu.memory_space<semaphore_mem>>
    tpu.wait_indirect_dma semaphore(%dma_wait3A_79 : memref<!tpu.dma_semaphore, #tpu.memory_space<semaphore_mem>>) src(%dma_wait3A_77 : memref<100000x128xf32, #tpu.memory_space<hbm>>) dst(%dma_wait3A_71 : memref<128x128xf32, #tpu.memory_space<vmem>>)
    %dma_wait3A_80 = arith.constant 197 : i32
    %dma_wait3A_81 = arith.constant 1 : i32
    %dma_wait3A_82 = arith.constant 1 : i32
    %dma_wait3A_83 = arith.constant 0 : i32
    %dma_wait3A_84 = arith.constant 0 : i32
    %dma_wait3A_85 = tpu.memref_slice %arg6[%dma_wait3A_81, %dma_wait3A_83, %dma_wait3A_84] : memref<4x128x128xf32, #tpu.memory_space<vmem>> -> memref<1x128x128xf32, #tpu.memory_space<vmem>>
    %dma_wait3A_86 = tpu.memref_squeeze %dma_wait3A_85 : memref<1x128x128xf32, #tpu.memory_space<vmem>> -> memref<128x128xf32, #tpu.memory_space<vmem>>
    %dma_wait3A_87 = arith.constant 0 : i32
    %dma_wait3A_88 = tpu.memref_slice %arg5[%dma_wait3A_80, %dma_wait3A_87] : memref<200x128xi32, #tpu.memory_space<vmem>> -> memref<1x128xi32, #tpu.memory_space<vmem>>
    %dma_wait3A_89 = tpu.memref_squeeze %dma_wait3A_88 : memref<1x128xi32, #tpu.memory_space<vmem>> -> memref<128xi32, #tpu.memory_space<vmem>>
    %dma_wait3A_90 = arith.constant 0 : i32
    %dma_wait3A_91 = arith.constant 0 : i32
    %dma_wait3A_92 = tpu.memref_slice %arg2[%dma_wait3A_90, %dma_wait3A_91] : memref<100000x128xf32, #tpu.memory_space<hbm>> -> memref<100000x128xf32, #tpu.memory_space<hbm>>
    %dma_wait3A_93 = tpu.memref_slice %arg7[%dma_wait3A_82] : memref<4x!tpu.dma_semaphore, #tpu.memory_space<semaphore_mem>> -> memref<1x!tpu.dma_semaphore, #tpu.memory_space<semaphore_mem>>
    %dma_wait3A_94 = tpu.memref_squeeze %dma_wait3A_93 : memref<1x!tpu.dma_semaphore, #tpu.memory_space<semaphore_mem>> -> memref<!tpu.dma_semaphore, #tpu.memory_space<semaphore_mem>>
    tpu.wait_indirect_dma semaphore(%dma_wait3A_94 : memref<!tpu.dma_semaphore, #tpu.memory_space<semaphore_mem>>) src(%dma_wait3A_92 : memref<100000x128xf32, #tpu.memory_space<hbm>>) dst(%dma_wait3A_86 : memref<128x128xf32, #tpu.memory_space<vmem>>)
    %add3A_95 = arith.constant 196 : i32
    %add3A_96 = arith.addi %mul3A_2, %add3A_95 : i32
    %dma_start3A_97 = arith.constant 0 : i32
    %dma_start3A_98 = arith.constant 0 : i32
    %dma_start3A_99 = arith.constant 0 : i32
    %dma_start3A_100 = arith.constant 0 : i32
    %dma_start3A_101 = tpu.memref_slice %arg6[%dma_start3A_98, %dma_start3A_99, %dma_start3A_100] : memref<4x128x128xf32, #tpu.memory_space<vmem>> -> memref<2x128x128xf32, #tpu.memory_space<vmem>>
    %dma_start3A_102 = arith.constant 0 : i32
    %dma_start3A_103 = arith.constant 0 : i32
    %dma_start3A_104 = tpu.memref_slice %arg4[%add3A_96, %dma_start3A_102, %dma_start3A_103] : memref<6400x128x128xf32, #tpu.memory_space<hbm>> -> memref<2x128x128xf32, #tpu.memory_space<hbm>>
    %dma_start3A_105 = tpu.memref_slice %arg8[%dma_start3A_97] : memref<2x!tpu.dma_semaphore, #tpu.memory_space<semaphore_mem>> -> memref<1x!tpu.dma_semaphore, #tpu.memory_space<semaphore_mem>>
    %dma_start3A_106 = tpu.memref_squeeze %dma_start3A_105 : memref<1x!tpu.dma_semaphore, #tpu.memory_space<semaphore_mem>> -> memref<!tpu.dma_semaphore, #tpu.memory_space<semaphore_mem>>
    %dma_start3A_107 = arith.constant 0 : i32
    %dma_start3A_108 = arith.constant 0 : i32
    %dma_start3A_109 = tpu.memref_slice %arg4[%add3A_96, %dma_start3A_107, %dma_start3A_108] : memref<6400x128x128xf32, #tpu.memory_space<hbm>> -> memref<2x128x128xf32, #tpu.memory_space<hbm>>
    %dma_start3A_110 = arith.constant 0 : i32
    %dma_start3A_111 = arith.constant 0 : i32
    %dma_start3A_112 = arith.constant 0 : i32
    %dma_start3A_113 = tpu.memref_slice %arg6[%dma_start3A_110, %dma_start3A_111, %dma_start3A_112] : memref<4x128x128xf32, #tpu.memory_space<vmem>> -> memref<2x128x128xf32, #tpu.memory_space<vmem>>
    tpu.enqueue_dma source(%dma_start3A_113 : memref<2x128x128xf32, #tpu.memory_space<vmem>>) target(%dma_start3A_109 : memref<2x128x128xf32, #tpu.memory_space<hbm>>) target_semaphore(%dma_start3A_106 : memref<!tpu.dma_semaphore, #tpu.memory_space<semaphore_mem>>)
    %dma_wait3A_114 = arith.constant 198 : i32
    %dma_wait3A_115 = arith.constant 2 : i32
    %dma_wait3A_116 = arith.constant 2 : i32
    %dma_wait3A_117 = arith.constant 0 : i32
    %dma_wait3A_118 = arith.constant 0 : i32
    %dma_wait3A_119 = tpu.memref_slice %arg6[%dma_wait3A_115, %dma_wait3A_117, %dma_wait3A_118] : memref<4x128x128xf32, #tpu.memory_space<vmem>> -> memref<1x128x128xf32, #tpu.memory_space<vmem>>
    %dma_wait3A_120 = tpu.memref_squeeze %dma_wait3A_119 : memref<1x128x128xf32, #tpu.memory_space<vmem>> -> memref<128x128xf32, #tpu.memory_space<vmem>>
    %dma_wait3A_121 = arith.constant 0 : i32
    %dma_wait3A_122 = tpu.memref_slice %arg5[%dma_wait3A_114, %dma_wait3A_121] : memref<200x128xi32, #tpu.memory_space<vmem>> -> memref<1x128xi32, #tpu.memory_space<vmem>>
    %dma_wait3A_123 = tpu.memref_squeeze %dma_wait3A_122 : memref<1x128xi32, #tpu.memory_space<vmem>> -> memref<128xi32, #tpu.memory_space<vmem>>
    %dma_wait3A_124 = arith.constant 0 : i32
    %dma_wait3A_125 = arith.constant 0 : i32
    %dma_wait3A_126 = tpu.memref_slice %arg2[%dma_wait3A_124, %dma_wait3A_125] : memref<100000x128xf32, #tpu.memory_space<hbm>> -> memref<100000x128xf32, #tpu.memory_space<hbm>>
    %dma_wait3A_127 = tpu.memref_slice %arg7[%dma_wait3A_116] : memref<4x!tpu.dma_semaphore, #tpu.memory_space<semaphore_mem>> -> memref<1x!tpu.dma_semaphore, #tpu.memory_space<semaphore_mem>>
    %dma_wait3A_128 = tpu.memref_squeeze %dma_wait3A_127 : memref<1x!tpu.dma_semaphore, #tpu.memory_space<semaphore_mem>> -> memref<!tpu.dma_semaphore, #tpu.memory_space<semaphore_mem>>
    tpu.wait_indirect_dma semaphore(%dma_wait3A_128 : memref<!tpu.dma_semaphore, #tpu.memory_space<semaphore_mem>>) src(%dma_wait3A_126 : memref<100000x128xf32, #tpu.memory_space<hbm>>) dst(%dma_wait3A_120 : memref<128x128xf32, #tpu.memory_space<vmem>>)
    %dma_wait3A_129 = arith.constant 199 : i32
    %dma_wait3A_130 = arith.constant 3 : i32
    %dma_wait3A_131 = arith.constant 3 : i32
    %dma_wait3A_132 = arith.constant 0 : i32
    %dma_wait3A_133 = arith.constant 0 : i32
    %dma_wait3A_134 = tpu.memref_slice %arg6[%dma_wait3A_130, %dma_wait3A_132, %dma_wait3A_133] : memref<4x128x128xf32, #tpu.memory_space<vmem>> -> memref<1x128x128xf32, #tpu.memory_space<vmem>>
    %dma_wait3A_135 = tpu.memref_squeeze %dma_wait3A_134 : memref<1x128x128xf32, #tpu.memory_space<vmem>> -> memref<128x128xf32, #tpu.memory_space<vmem>>
    %dma_wait3A_136 = arith.constant 0 : i32
    %dma_wait3A_137 = tpu.memref_slice %arg5[%dma_wait3A_129, %dma_wait3A_136] : memref<200x128xi32, #tpu.memory_space<vmem>> -> memref<1x128xi32, #tpu.memory_space<vmem>>
    %dma_wait3A_138 = tpu.memref_squeeze %dma_wait3A_137 : memref<1x128xi32, #tpu.memory_space<vmem>> -> memref<128xi32, #tpu.memory_space<vmem>>
    %dma_wait3A_139 = arith.constant 0 : i32
    %dma_wait3A_140 = arith.constant 0 : i32
    %dma_wait3A_141 = tpu.memref_slice %arg2[%dma_wait3A_139, %dma_wait3A_140] : memref<100000x128xf32, #tpu.memory_space<hbm>> -> memref<100000x128xf32, #tpu.memory_space<hbm>>
    %dma_wait3A_142 = tpu.memref_slice %arg7[%dma_wait3A_131] : memref<4x!tpu.dma_semaphore, #tpu.memory_space<semaphore_mem>> -> memref<1x!tpu.dma_semaphore, #tpu.memory_space<semaphore_mem>>
    %dma_wait3A_143 = tpu.memref_squeeze %dma_wait3A_142 : memref<1x!tpu.dma_semaphore, #tpu.memory_space<semaphore_mem>> -> memref<!tpu.dma_semaphore, #tpu.memory_space<semaphore_mem>>
    tpu.wait_indirect_dma semaphore(%dma_wait3A_143 : memref<!tpu.dma_semaphore, #tpu.memory_space<semaphore_mem>>) src(%dma_wait3A_141 : memref<100000x128xf32, #tpu.memory_space<hbm>>) dst(%dma_wait3A_135 : memref<128x128xf32, #tpu.memory_space<vmem>>)
    %add3A_144 = arith.constant 198 : i32
    %add3A_145 = arith.addi %mul3A_2, %add3A_144 : i32
    %dma_start3A_146 = arith.constant 1 : i32
    %dma_start3A_147 = arith.constant 2 : i32
    %dma_start3A_148 = arith.constant 0 : i32
    %dma_start3A_149 = arith.constant 0 : i32
    %dma_start3A_150 = tpu.memref_slice %arg6[%dma_start3A_147, %dma_start3A_148, %dma_start3A_149] : memref<4x128x128xf32, #tpu.memory_space<vmem>> -> memref<2x128x128xf32, #tpu.memory_space<vmem>>
    %dma_start3A_151 = arith.constant 0 : i32
    %dma_start3A_152 = arith.constant 0 : i32
    %dma_start3A_153 = tpu.memref_slice %arg4[%add3A_145, %dma_start3A_151, %dma_start3A_152] : memref<6400x128x128xf32, #tpu.memory_space<hbm>> -> memref<2x128x128xf32, #tpu.memory_space<hbm>>
    %dma_start3A_154 = tpu.memref_slice %arg8[%dma_start3A_146] : memref<2x!tpu.dma_semaphore, #tpu.memory_space<semaphore_mem>> -> memref<1x!tpu.dma_semaphore, #tpu.memory_space<semaphore_mem>>
    %dma_start3A_155 = tpu.memref_squeeze %dma_start3A_154 : memref<1x!tpu.dma_semaphore, #tpu.memory_space<semaphore_mem>> -> memref<!tpu.dma_semaphore, #tpu.memory_space<semaphore_mem>>
    %dma_start3A_156 = arith.constant 0 : i32
    %dma_start3A_157 = arith.constant 0 : i32
    %dma_start3A_158 = tpu.memref_slice %arg4[%add3A_145, %dma_start3A_156, %dma_start3A_157] : memref<6400x128x128xf32, #tpu.memory_space<hbm>> -> memref<2x128x128xf32, #tpu.memory_space<hbm>>
    %dma_start3A_159 = arith.constant 2 : i32
    %dma_start3A_160 = arith.constant 0 : i32
    %dma_start3A_161 = arith.constant 0 : i32
    %dma_start3A_162 = tpu.memref_slice %arg6[%dma_start3A_159, %dma_start3A_160, %dma_start3A_161] : memref<4x128x128xf32, #tpu.memory_space<vmem>> -> memref<2x128x128xf32, #tpu.memory_space<vmem>>
    tpu.enqueue_dma source(%dma_start3A_162 : memref<2x128x128xf32, #tpu.memory_space<vmem>>) target(%dma_start3A_158 : memref<2x128x128xf32, #tpu.memory_space<hbm>>) target_semaphore(%dma_start3A_155 : memref<!tpu.dma_semaphore, #tpu.memory_space<semaphore_mem>>)
    %add3A_163 = arith.constant 196 : i32
    %add3A_164 = arith.addi %mul3A_2, %add3A_163 : i32
    %dma_wait3A_165 = arith.constant 0 : i32
    %dma_wait3A_166 = arith.constant 0 : i32
    %dma_wait3A_167 = arith.constant 0 : i32
    %dma_wait3A_168 = arith.constant 0 : i32
    %dma_wait3A_169 = tpu.memref_slice %arg6[%dma_wait3A_166, %dma_wait3A_167, %dma_wait3A_168] : memref<4x128x128xf32, #tpu.memory_space<vmem>> -> memref<2x128x128xf32, #tpu.memory_space<vmem>>
    %dma_wait3A_170 = arith.constant 0 : i32
    %dma_wait3A_171 = arith.constant 0 : i32
    %dma_wait3A_172 = tpu.memref_slice %arg4[%add3A_164, %dma_wait3A_170, %dma_wait3A_171] : memref<6400x128x128xf32, #tpu.memory_space<hbm>> -> memref<2x128x128xf32, #tpu.memory_space<hbm>>
    %dma_wait3A_173 = tpu.memref_slice %arg8[%dma_wait3A_165] : memref<2x!tpu.dma_semaphore, #tpu.memory_space<semaphore_mem>> -> memref<1x!tpu.dma_semaphore, #tpu.memory_space<semaphore_mem>>
    %dma_wait3A_174 = tpu.memref_squeeze %dma_wait3A_173 : memref<1x!tpu.dma_semaphore, #tpu.memory_space<semaphore_mem>> -> memref<!tpu.dma_semaphore, #tpu.memory_space<semaphore_mem>>
    %dma_wait3A_175 = arith.constant 0 : i32
    %dma_wait3A_176 = arith.constant 0 : i32
    %dma_wait3A_177 = tpu.memref_slice %arg4[%add3A_164, %dma_wait3A_175, %dma_wait3A_176] : memref<6400x128x128xf32, #tpu.memory_space<hbm>> -> memref<2x128x128xf32, #tpu.memory_space<hbm>>
    %dma_wait3A_178 = arith.constant 0 : i32
    %dma_wait3A_179 = arith.constant 0 : i32
    %dma_wait3A_180 = arith.constant 0 : i32
    %dma_wait3A_181 = tpu.memref_slice %arg6[%dma_wait3A_178, %dma_wait3A_179, %dma_wait3A_180] : memref<4x128x128xf32, #tpu.memory_space<vmem>> -> memref<2x128x128xf32, #tpu.memory_space<vmem>>
    tpu.wait_dma2 semaphore(%dma_wait3A_174 : memref<!tpu.dma_semaphore, #tpu.memory_space<semaphore_mem>>) src(%dma_wait3A_181 : memref<2x128x128xf32, #tpu.memory_space<vmem>>) dst(%dma_wait3A_177 : memref<2x128x128xf32, #tpu.memory_space<hbm>>)
    %add3A_182 = arith.constant 198 : i32
    %add3A_183 = arith.addi %mul3A_2, %add3A_182 : i32
    %dma_wait3A_184 = arith.constant 1 : i32
    %dma_wait3A_185 = arith.constant 2 : i32
    %dma_wait3A_186 = arith.constant 0 : i32
    %dma_wait3A_187 = arith.constant 0 : i32
    %dma_wait3A_188 = tpu.memref_slice %arg6[%dma_wait3A_185, %dma_wait3A_186, %dma_wait3A_187] : memref<4x128x128xf32, #tpu.memory_space<vmem>> -> memref<2x128x128xf32, #tpu.memory_space<vmem>>
    %dma_wait3A_189 = arith.constant 0 : i32
    %dma_wait3A_190 = arith.constant 0 : i32
    %dma_wait3A_191 = tpu.memref_slice %arg4[%add3A_183, %dma_wait3A_189, %dma_wait3A_190] : memref<6400x128x128xf32, #tpu.memory_space<hbm>> -> memref<2x128x128xf32, #tpu.memory_space<hbm>>
    %dma_wait3A_192 = tpu.memref_slice %arg8[%dma_wait3A_184] : memref<2x!tpu.dma_semaphore, #tpu.memory_space<semaphore_mem>> -> memref<1x!tpu.dma_semaphore, #tpu.memory_space<semaphore_mem>>
    %dma_wait3A_193 = tpu.memref_squeeze %dma_wait3A_192 : memref<1x!tpu.dma_semaphore, #tpu.memory_space<semaphore_mem>> -> memref<!tpu.dma_semaphore, #tpu.memory_space<semaphore_mem>>
    %dma_wait3A_194 = arith.constant 0 : i32
    %dma_wait3A_195 = arith.constant 0 : i32
    %dma_wait3A_196 = tpu.memref_slice %arg4[%add3A_183, %dma_wait3A_194, %dma_wait3A_195] : memref<6400x128x128xf32, #tpu.memory_space<hbm>> -> memref<2x128x128xf32, #tpu.memory_space<hbm>>
    %dma_wait3A_197 = arith.constant 2 : i32
    %dma_wait3A_198 = arith.constant 0 : i32
    %dma_wait3A_199 = arith.constant 0 : i32
    %dma_wait3A_200 = tpu.memref_slice %arg6[%dma_wait3A_197, %dma_wait3A_198, %dma_wait3A_199] : memref<4x128x128xf32, #tpu.memory_space<vmem>> -> memref<2x128x128xf32, #tpu.memory_space<vmem>>
    tpu.wait_dma2 semaphore(%dma_wait3A_193 : memref<!tpu.dma_semaphore, #tpu.memory_space<semaphore_mem>>) src(%dma_wait3A_200 : memref<2x128x128xf32, #tpu.memory_space<vmem>>) dst(%dma_wait3A_196 : memref<2x128x128xf32, #tpu.memory_space<hbm>>)
    return
  }
}

</mosaic_0001>

<sc_bundles>
// kernel: kernel.3.cloned.1.call-start
scs
__scs_entry_jumppad:
0x0: {  	(pc) =	sbr.rel $0x88, $3  }
0x1: {  	(tag) =	ssettag $0x0;
	lr =	simm.s32 $0x1  }
0x2: {  	[smem:$0x3F9F] =	sst lr;
	_ =	strace $0xD0000000  }
0x3: {  	_ = 	snop  }
0x4: {  	_ = 	snop  }
0x5: {  	_ = 	snop  }
0x6: {  	_ = 	snop  }
0x7: {  	_ = 	snop  }
__scs_overlays_trampoline_lowered:
0x8: {  	[smem:$0x3FAE] =	sst s0  }
0x9: {  	[smem:$0x3FAF] =	sst s1  }
0xa: {  	[smem:$0x3FB0] =	sst s2  }
0xb: {  	[smem:$0x3FB1] =	sst s3  }
0xc: {  	[smem:$0x3FB2] =	sst s4  }
0xd: {  	[smem:$0x3FB3] =	sst s5  }
0xe: {  	[smem:$0x3FB4] =	sst s6  }
0xf: {  	[smem:$0x3FB5] =	sst s7  }
0x10: {  	[smem:$0x3FB6] =	sst s8  }
0x11: {  	[smem:$0x3FB7] =	sst s9;
	s0 =	simm.s32 @!p0 $0x0  }
0x12: {  	s1 =	sld [smem:$0x3F9D];
	s0 =	simm.s32 @p0 $0x1  }
0x13: {  	[smem:$0x3FB8] =	sst s0;
	s0 =	simm.s32 @!p1 $0x0  }
0x14: {  	s2 =	sld [smem:$0x3F9C];
	s0 =	simm.s32 @p1 $0x1  }
0x15: {  	[smem:$0x3FB9] =	sst s0;
	s0 =	simm.s32 @!p2 $0x0  }
0x16: {  	s3 =	sld [smem:$0x3FDB];
	s0 =	simm.s32 @p2 $0x1  }
0x17: {  	s4 =	simm.s32 $0x1BF5;
	[smem:$0x3FBB] =	sst s0  }
0x18: {  	s0 =	sld [smem:$0x3F9E];
	_ =	swait.ge [sflag:s4], $0x0  }
0x19: {  	s7 =	sld [smem:$0x3F9F]  }
0x1a: {  	s8 =	sadd.s32 $0xFFFFE003, lr  }
0x1b: {  	s9 =	sadd.s32 $0xFFFFFEF7, lr;
	s5 =	simm.s32 $0xFFFFFFFF;
	p2 =	slt.u32 s8, $0xFFFFF086  }
0x1c: {  	p1 =	slt.u32 s9, $0xF7A;
	s5 =	simm.s32 @!p2 $0x0  }
0x1d: {  	s5 =	simm.s32 @p1 $0x1;
	p0 =	seq.s32 s7, s2  }
0x1e: {  	s7 =	smul.u32 @!p0 $0xF7A, s2;
	p2 =	seq.s32 @!p0 s5, $0x0  }
0x1f: {  	s9 =	smul.u32 $0xF7A, s1;
	s8 =	simm.s32 @!p0 $0x1BF5;
	p2 =	por !p2, p0  }
0x20: {  	[sflag:s8] =	ssyncset.s32 @!p0 $0xFFFFF086;
	s6 =	sadd.s32 @!p0 s3, s7;
	s7 =	simm.s32 @!p0 $0x108  }
0x21: {  	s3 =	sadd.s32 s3, s9;
	s6 =	sadd.s32 @!p0 $0x88, s6;
	s7 =	simm.s32 @p2 $0x1082  }
0x22: {  	[simem:s7], [sflag:s8] =	dma.local @!p0 [hbm:s6], $0xF7A  }
0x23: {  	s9 =	sor.u32 $0xD0000000, s2;
	s6 =	simm.s32 $0x108;
	_ =	swait.ge @!p0 [sflag:s8], $0x0  }
0x24: {  	s3 =	sadd.s32 $0x88, s3;
	s6 =	simm.s32 @!p1 $0x1082;
	[sflag:s4] =	ssyncset.s32 $0xFFFFF086  }
0x25: {  	[simem:s6], [sflag:s4] =	dma.local [hbm:s3], $0xF7A  }
0x26: {  	[smem:$0x3F9F] =	sst s1;
	(tag) =	ssettag s2;
	_ =	strace s9  }
0x27: {  	s1 =	sld [smem:$0x3FAF]  }
0x28: {  	s2 =	sld [smem:$0x3FB0]  }
0x29: {  	s4 =	sld [smem:$0x3FB2]  }
0x2a: {  	p0 =	seq.s32 s5, $0x0;
	s5 =	sld [smem:$0x3FB3]  }
0x2b: {  	s6 =	sld [smem:$0x3FB4]  }
0x2c: {  	s7 =	sld [smem:$0x3FB5]  }
0x2d: {  	s3 =	simm.s32 $0x108;
	s8 =	sld [smem:$0x3FB6]  }
0x2e: {  	s3 =	simm.s32 @!p0 $0x1082;
	s9 =	sld [smem:$0x3FB7]  }
0x2f: {  	lr =	sadd.s32 s0, s3;
	s0 =	sld [smem:$0x3FAE]  }
0x30: {  	s3 =	sld [smem:$0x3FB1]  }
0x31: {  	[smem:$0x3FBA] =	sst s10  }
0x32: {  	s10 =	sld [smem:$0x3FB8];
	_ =	sdelay $0x3  }
0x33: {  	p0 =	seq.s32 s10, $0x1;
	s10 =	sld [smem:$0x3FBA];
	_ =	sdelay $0x3  }
0x34: {  	[smem:$0x3FBA] =	sst s10  }
0x35: {  	s10 =	sld [smem:$0x3FB9];
	_ =	sdelay $0x3  }
0x36: {  	p1 =	seq.s32 s10, $0x1;
	s10 =	sld [smem:$0x3FBA];
	_ =	sdelay $0x3  }
0x37: {  	[smem:$0x3FBA] =	sst s10  }
0x38: {  	s10 =	sld [smem:$0x3FBB]  }
0x39: {  	_ = 	snop;
	(pc) =	sbr.ind lr, $3  }
0x3a: {  	_ = 	snop  }
0x3b: {  	_ = 	snop  }
0x3c: {  	p2 =	seq.s32 s10, $0x1;
	s10 =	sld [smem:$0x3FBA]  }
0x3d: {  	_ =	shalt  }
0x3e: {  	_ =	shalt  }
0x3f: {  	_ =	shalt  }
0x40: {  	_ =	shalt  }
0x41: {  	_ =	shalt  }
0x42: {  	_ =	shalt  }
0x43: {  	_ =	shalt  }
0x44: {  	_ =	shalt  }
0x45: {  	_ =	shalt  }
0x46: {  	_ =	shalt  }
0x47: {  	_ =	shalt  }
0x48: {  	_ =	shalt  }
0x49: {  	_ =	shalt  }
0x4a: {  	_ =	shalt  }
0x4b: {  	_ =	shalt  }
0x4c: {  	_ =	shalt  }
0x4d: {  	_ =	shalt  }
0x4e: {  	_ =	shalt  }
0x4f: {  	_ =	shalt  }
0x50: {  	_ =	shalt  }
0x51: {  	_ =	shalt  }
0x52: {  	_ =	shalt  }
0x53: {  	_ =	shalt  }
0x54: {  	_ =	shalt  }
0x55: {  	_ =	shalt  }
0x56: {  	_ =	shalt  }
0x57: {  	_ =	shalt  }
0x58: {  	_ =	shalt  }
0x59: {  	_ =	shalt  }
0x5a: {  	_ =	shalt  }
0x5b: {  	_ =	shalt  }
0x5c: {  	_ =	shalt  }
0x5d: {  	_ =	shalt  }
0x5e: {  	_ =	shalt  }
0x5f: {  	_ =	shalt  }
0x60: {  	_ =	shalt  }
0x61: {  	_ =	shalt  }
0x62: {  	_ =	shalt  }
0x63: {  	_ =	shalt  }
0x64: {  	_ =	shalt  }
0x65: {  	_ =	shalt  }
0x66: {  	_ =	shalt  }
0x67: {  	_ =	shalt  }
0x68: {  	_ =	shalt  }
0x69: {  	_ =	shalt  }
0x6a: {  	_ =	shalt  }
0x6b: {  	_ =	shalt  }
0x6c: {  	_ =	shalt  }
0x6d: {  	_ =	shalt  }
0x6e: {  	_ =	shalt  }
0x6f: {  	_ =	shalt  }
0x70: {  	_ =	shalt  }
0x71: {  	_ =	shalt  }
0x72: {  	_ =	shalt  }
0x73: {  	_ =	shalt  }
0x74: {  	_ =	shalt  }
0x75: {  	_ =	shalt  }
0x76: {  	_ =	shalt  }
0x77: {  	_ =	shalt  }
0x78: {  	_ =	shalt  }
0x79: {  	_ =	shalt  }
0x7a: {  	_ =	shalt  }
0x7b: {  	_ =	shalt  }
0x7c: {  	_ =	shalt  }
0x7d: {  	_ =	shalt  }
0x7e: {  	_ =	shalt  }
0x7f: {  	_ =	shalt  }
0x80: {  	_ =	shalt  }
0x81: {  	_ =	shalt  }
0x82: {  	_ =	shalt  }
0x83: {  	_ =	shalt  }
0x84: {  	_ =	shalt  }
0x85: {  	_ =	shalt  }
0x86: {  	_ =	shalt  }
0x87: {  	_ =	shalt  }
.Lfunc_end0:
.L_simem_size_0:
called_computation_lowered:
.L_overlay_start_0:
0x88: {  	s2 =	sld [smem:$0x3FD9]  }
0x89: {  	s3 =	sld [smem:$0x3FFE];
	_ =	sdelay $0x1  }
0x8a: {  	s1 =	srdreg.scid  }
0x8b: {  	s0 =	sand.u32 $0x1, s1  }
0x8c: {  	s17 =	sshll.u32 s0, $0xA;
	s2 =	sadd.s32 s3, s2  }
0x8d: {  	s2 =	sadd.s32 s2, s17  }
0x8e: {  	[smem:$0x3FC6] =	sst s2  }
0x8f: {  	_ = 	snop  }
0x90: {  	s2 =	sld [smem:$0x3FC8]  }
0x91: {  	s18 =	sld [smem:$0x3FD0];
	(tm) =	ssettm $0x1  }
0x92: {  	s4 =	sld [smem:$0x3FFB];
	_ =	sdelay $0x3  }
0x93: {  	_ =	strace s4  }
0x94: {  	s4 =	sld [smem:$0x3FFC];
	_ =	sdelay $0x3  }
0x95: {  	_ =	strace s4  }
0x96: {  	s4 =	sld [smem:$0x3FFD];
	_ =	sdelay $0x3  }
0x97: {  	_ =	strace s4  }
0x98: {  	_ =	strace $0x8FFFFFFF  }
0x99: {  	s19 =	sld [smem:$0x3FDB];
	_ =	sdelay $0x1  }
0x9a: {  	s5 =	simm.s32 $_scs_section_size  }
0x9b: {  	s6 =	simm.s32 $_size__tile_overlayer_lowered;
	s7 =	simm.s32 $_tile_overlayer_lowered  }
0x9c: {  	s22 =	simm.s32 $0x1BFF;
	s21 =	sshll.u32 s7, $0x1;
	s4 =	sadd.s32 s5, s19  }
0x9d: {  	s8 =	simm.s32 $0x0;
	s20 =	sshll.u32 s6, $0x1;
	s6 =	sadd.s32 s21, s4  }
0x9e: {  	[timem:s8], [sflag:s22] =	dma.local [hbm:s6], s20  }
0x9f: {  	_ =	swait.ge [sflag:s22], s20  }
0xa0: {  	s5 =	ssub.s32 $0x0, s20;
	[sflag:s22] =	ssyncset.done $0x0  }
0xa1: {  	[sflag:s22] =	ssyncadd.s32 s5;
	_ =	sdelay $0x1  }
0xa2: {  	s23 =	simm.s32 $0x1B8B  }
0xa3: {  	_ =	swait.ge [sflag:s23], $0x1  }
0xa4: {  	[sflag:s23] =	ssyncset.done $0x0  }
0xa5: {  	s25 =	simm.s32 $0x1B8E;
	s24 =	sld [smem:$0x3FFE];
	[sflag:s23] =	ssyncadd.s32 $0xFFFFFFFF  }
0xa6: {  	s26 =	simm.s32 $execute0_lowered;
	[smem:$0x3FD2] =	sst s25  }
0xa7: {  	s6 =	sshll.u32 s26, $0x1;
	_ =	strace $0x80000046;
	[dreg:$0x1] =	wrdreg $0xFFFFFFFF  }
0xa8: {  	s28 =	simm.s32 $_size_execute0_lowered;
	s4 =	sadd.s32 s4, s6;
	[dreg:$0x0] =	wrdreg $0x0  }
0xa9: {  	s6 =	sshll.u32 s28, $0x1;
	[dreg:$0x2] =	wrdreg s4  }
0xaa: {  	[dreg:$0x3] =	wrdreg s6  }
0xab: {  	[dreg:$0x4] =	wrdreg $0xC0  }
0xac: {  	_ =	task [dreg:s8], $0x5FFFF  }
0xad: {  	[dreg:$0x1] =	wrdreg $0xFFFFFFFF  }
0xae: {  	[dreg:$0x0] =	wrdreg $0x60  }
0xaf: {  	[dreg:$0x2] =	wrdreg s2  }
0xb0: {  	[dreg:$0x3] =	wrdreg s24  }
0xb1: {  	[dreg:$0x4] =	wrdreg s18  }
0xb2: {  	[dreg:$0x5] =	wrdreg $0x9  }
0xb3: {  	_ =	task.clear_ibuf [dreg:s8], $0x6FFFF;
	_ =	strace $0x90000046  }
0xb4: {  	s29 =	simm.s32 $0x9;
	_ =	strace $0x80000048  }
0xb5: {  	_ =	swait.ge [sflag:s29], $0x1  }
0xb6: {  	[sflag:s29] =	ssyncadd.s32 $0xFFFFFFFF  }
0xb7: {  	_ =	strace $0x90000048  }
0xb8: {  	_ =	sfence  }
0xb9: {  	s30 =	sld [smem:$0x0];
	_ =	sdelay $0x2  }
0xba: {  	s31 =	sshll.u32 s1, $0xD;
	s1 =	sshrl.u32 s1, $0x2  }
0xbb: {  	s3 =	sand.u32 $0x4000, s31;
	s1 =	sadd.s32 s1, s30  }
0xbc: {  	s0 =	sor.u32 s3, s0;
	s1 =	sshll.u32 s1, $0x11  }
0xbd: {  	s0 =	sor.u32 s1, s0  }
0xbe: {  	s0 =	sadd.s32 $0x8F2B, s0  }
0xbf: {  	[sflag:s0] =	ssyncadd.remote.s32 $0x1  }
0xc0: {  	_ =	sfence.sel $0xFFFF  }
0xc1: {  	[dreg:$0x0] =	wrdreg $0xFFFFFFFF;
	(pc) =	sbr.abs _section_cstart, $3  }
0xc2: {  	[dreg:$0x1] =	wrdreg $0xFFFFFFFF  }
0xc3: {  	_ =	task.clear_ibuf [dreg:s8], $0x2FFFF;
	_ =	strace $0x9FFFFFFF  }
0xc4: {  	(tm) =	ssettm $0x7FFFFFFF  }
0xc5: {  	_ =	shalt  }
tec
execute0_lowered:
.L_overlay_start_1:
0x0: {  	(tag) =	ssettag $0x1  }
0x1: {  	s1 =	rddreg [dreg:$0x0];
	s2 =	srdreg.scid  }
0x2: {  	s0 =	stileid.u32;
	s4 =	rddreg [dreg:$0x1]  }
0x3: {  	s7 =	rddreg [dreg:$0x2];
	s3 =	simm.s32 $0x0;
	s13 =	simm.s32 $0xA400  }
0x4: {  	s14 =	simm.s32 $0x100;
	s15 =	simm.s32 $0xE400;
	s16 =	simm.s32 $0x180  }
0x5: {  	s17 =	simm.s32 $0x12400;
	s18 =	simm.s32 $0x1;
	s19 =	simm.s32 $0x2  }
0x6: {  	s20 =	simm.s32 $0x5;
	s21 =	simm.s32 $0x3;
	s10 =	smul.u32 $0x190, s0  }
0x7: {  	s22 =	simm.s32 $0x4;
	s6 =	sand.u32 $0x1, s2;
	s29 =	smul.u32 $0xC8000, s0  }
0x8: {  	s23 =	simm.s32 $0x6;
	s25 =	sshll.u32 s0, $0x1;
	s11 =	smul.u32 $0xC8, s6  }
0x9: {  	s2 =	rddreg [dreg:$0x3];
	s5 =	sor.u32 s6, s25;
	s12 =	smul.u32 $0x64000, s6  }
0xa: {  	s24 =	simm.s32 $0x0;
	[smem:$0x7FF] =	sst s3;
	s8 =	smul.u32 $0xC80, s5  }
0xb: {  	_ =	strace $0x80000047;
	s9 =	ssub.s32 $0x2, s6;
	s5 =	smul.u32 $0x320000, s5  }
0xc: {  	s26 =	sshrl.u32 s9, $0x1;
	s31 =	sadd.s32 s29, s7;
	s10 =	sadd.s32 s11, s10  }
0xd: {  	s11 =	simm.s32 $0x80;
	s4 =	sadd.s32 s8, s4;
	s8 =	ssub.s32 s9, s26  }
0xe: {  	s5 =	sshrl.u32 s5, $0x3;
	s10 =	sshll.u32 s10, $0xB;
	s9 =	sadd.s32 s12, s31  }
0xf: {  	s12 =	simm.s32 $0x6400;
	s4 =	sadd.s32 $0x400, s4;
	s28 =	sadd.s32 s7, s5  }
0x10: {  	s30 =	sadd.s32 s10, s7;
	s7 =	smax.u32 s8, $0x1;
	s10 =	simm.s32 $0x7  }
0x11: {  	s5 =	sadd.s32 $0x62000, s28;
	s6 =	sadd.s32 $0x63000, s28;
	s8 =	sadd.s32 $0x1000, s30  }
.LBB2_1:
0x12: {  	[tilespmem:s3], [sflag:$0x7] =	stream.linear.gather [hbm4b:s4+s3], $0x6400, $0x38;
	[tilespmem:$0x16400] =	vst v63  }
0x13: {  	_ =	swait.ge [sflag:s10], $0x6400  }
0x14: {  	[sflag:s10] =	ssyncset.done $0x0  }
0x15: {  	[sflag:s10] =	ssyncadd.s32 $0xFFFF9C00  }
0x16: {  	[tilespmem:s12], [sflag:$0x1] =	stream.indirect.gather [hbm4b:s1+s11], $0x80, s3, s11, $0xb8;
	[tilespmem:$0x16400] =	vst v63  }
0x17: {  	_ = 	snop  }
0x18: {  	[tilespmem:s13], [sflag:$0x2] =	stream.indirect.gather [hbm4b:s1+s11], $0x80, s11, s11, $0xb8;
	[tilespmem:$0x16400] =	vst v63  }
0x19: {  	_ = 	snop  }
0x1a: {  	[tilespmem:s15], [sflag:$0x3] =	stream.indirect.gather [hbm4b:s1+s11], $0x80, s14, s11, $0xb8;
	[tilespmem:$0x16400] =	vst v63  }
0x1b: {  	_ = 	snop  }
0x1c: {  	[tilespmem:s17], [sflag:$0x4] =	stream.indirect.gather [hbm4b:s1+s11], $0x80, s16, s11, $0xb8;
	[tilespmem:$0x16400] =	vst v63  }
0x1d: {  	_ =	swait.ge [sflag:s18], $0x4000  }
0x1e: {  	[sflag:s18] =	ssyncset.done $0x0  }
0x1f: {  	[sflag:s18] =	ssyncadd.s32 $0xFFFFC000  }
0x20: {  	_ =	swait.ge [sflag:s19], $0x4000  }
0x21: {  	[sflag:s19] =	ssyncset.done $0x0  }
0x22: {  	[sflag:s19] =	ssyncadd.s32 $0xFFFFC000  }
0x23: {  	[hbm4b:s9+s3] =	stream.linear.scatter [tilespmem:s12], [sflag:$0x5], $0x8000, $0x38;
	[tilespmem:$0x16400] =	vst v63  }
0x24: {  	_ =	swait.ge [sflag:s20], $0x8000  }
0x25: {  	[sflag:s20] =	ssyncset.done $0x0  }
0x26: {  	s25 =	simm.s32 $0x200;
	[sflag:s20] =	ssyncadd.s32 $0xFFFF8000  }
0x27: {  	[tilespmem:s12], [sflag:$0x1] =	stream.indirect.gather [hbm4b:s1+s11], $0x80, s25, s11, $0xb8;
	[tilespmem:$0x16400] =	vst v63  }
0x28: {  	s30 =	simm.s32 $0x280  }
0x29: {  	[tilespmem:s13], [sflag:$0x2] =	stream.indirect.gather [hbm4b:s1+s11], $0x80, s30, s11, $0xb8;
	[tilespmem:$0x16400] =	vst v63  }
0x2a: {  	_ =	swait.ge [sflag:s21], $0x4000  }
0x2b: {  	[sflag:s21] =	ssyncset.done $0x0  }
0x2c: {  	[sflag:s21] =	ssyncadd.s32 $0xFFFFC000  }
0x2d: {  	_ =	swait.ge [sflag:s22], $0x4000  }
0x2e: {  	[sflag:s22] =	ssyncset.done $0x0  }
0x2f: {  	[sflag:s22] =	ssyncadd.s32 $0xFFFFC000  }
0x30: {  	[hbm4b:s8+s3] =	stream.linear.scatter [tilespmem:s15], [sflag:$0x6], $0x8000, $0x38;
	[tilespmem:$0x16400] =	vst v63  }
0x31: {  	s31 =	simm.s32 $0x300;
	_ =	swait.ge [sflag:s23], $0x8000  }
0x32: {  	s29 =	simm.s32 $0x380;
	s26 =	sadd.s32 $0x2000, s8;
	[sflag:s23] =	ssyncset.done $0x0  }
0x33: {  	s28 =	sadd.s32 $0x2000, s9;
	s25 =	simm.s32 $0x800;
	[sflag:s23] =	ssyncadd.s32 $0xFFFF8000  }
0x34: {  	[tilespmem:s15], [sflag:$0x3] =	stream.indirect.gather [hbm4b:s1+s11], $0x80, s31, s11, $0xb8;
	[tilespmem:$0x16400] =	vst v63  }
.LBB2_2:
0x35: {  	[tilespmem:s17], [sflag:$0x4] =	stream.indirect.gather [hbm4b:s1+s11], $0x80, s29, s11, $0xb8;
	[tilespmem:$0x16400] =	vst v63  }
0x36: {  	s29 =	smov.u32 s25  }
0x37: {  	p0 =	sne.s32 s25, $0x18000;
	s25 =	sadd.s32 $0x800, s25;
	_ =	swait.ge [sflag:s18], $0x4000  }
0x38: {  	[sflag:s18] =	ssyncset.done $0x0  }
0x39: {  	[sflag:s18] =	ssyncadd.s32 $0xFFFFC000  }
0x3a: {  	_ =	swait.ge [sflag:s19], $0x4000  }
0x3b: {  	[sflag:s19] =	ssyncset.done $0x0  }
0x3c: {  	[sflag:s19] =	ssyncadd.s32 $0xFFFFC000  }
0x3d: {  	[hbm4b:s28+s3] =	stream.linear.scatter [tilespmem:s12], [sflag:$0x5], $0x8000, $0x38;
	[tilespmem:$0x16400] =	vst v63  }
0x3e: {  	_ =	swait.ge [sflag:s20], $0x8000  }
0x3f: {  	s29 =	sshra.s32 s29, $0x2;
	[sflag:s20] =	ssyncset.done $0x0  }
0x40: {  	s30 =	sadd.s32 $0x200, s29;
	[sflag:s20] =	ssyncadd.s32 $0xFFFF8000  }
0x41: {  	[tilespmem:s12], [sflag:$0x1] =	stream.indirect.gather [hbm4b:s1+s11], $0x80, s30, s11, $0xb8;
	[tilespmem:$0x16400] =	vst v63  }
0x42: {  	s30 =	sadd.s32 $0x280, s29  }
0x43: {  	[tilespmem:s13], [sflag:$0x2] =	stream.indirect.gather [hbm4b:s1+s11], $0x80, s30, s11, $0xb8;
	[tilespmem:$0x16400] =	vst v63  }
0x44: {  	_ =	swait.ge [sflag:s21], $0x4000  }
0x45: {  	[sflag:s21] =	ssyncset.done $0x0  }
0x46: {  	[sflag:s21] =	ssyncadd.s32 $0xFFFFC000  }
0x47: {  	_ =	swait.ge [sflag:s22], $0x4000  }
0x48: {  	[sflag:s22] =	ssyncset.done $0x0  }
0x49: {  	[sflag:s22] =	ssyncadd.s32 $0xFFFFC000  }
0x4a: {  	[hbm4b:s26+s3] =	stream.linear.scatter [tilespmem:s15], [sflag:$0x6], $0x8000, $0x38;
	[tilespmem:$0x16400] =	vst v63  }
.Ltmp0:
0x4b: {  	_ =	swait.ge [sflag:s23], $0x8000;
	(pc) =	sbr.rel @p0 .LBB2_2-.Ltmp0, $4  }
0x4c: {  	[sflag:s23] =	ssyncset.done $0x0  }
0x4d: {  	s30 =	sadd.s32 $0x300, s29;
	[sflag:s23] =	ssyncadd.s32 $0xFFFF8000  }
0x4e: {  	[tilespmem:s15], [sflag:$0x3] =	stream.indirect.gather [hbm4b:s1+s11], $0x80, s30, s11, $0xb8;
	[tilespmem:$0x16400] =	vst v63  }
0x4f: {  	s28 =	sadd.s32 $0x2000, s28;
	s29 =	sadd.s32 $0x380, s29;
	s26 =	sadd.s32 $0x2000, s26  }
0x50: {  	[tilespmem:s17], [sflag:$0x4] =	stream.indirect.gather [hbm4b:s1+s11], $0x80, s29, s11, $0xb8;
	[tilespmem:$0x16400] =	vst v63  }
0x51: {  	_ =	swait.ge [sflag:s18], $0x4000  }
0x52: {  	[sflag:s18] =	ssyncset.done $0x0  }
0x53: {  	[sflag:s18] =	ssyncadd.s32 $0xFFFFC000  }
0x54: {  	_ =	swait.ge [sflag:s19], $0x4000  }
0x55: {  	[sflag:s19] =	ssyncset.done $0x0  }
0x56: {  	[sflag:s19] =	ssyncadd.s32 $0xFFFFC000  }
0x57: {  	[hbm4b:s5+s3] =	stream.linear.scatter [tilespmem:s12], [sflag:$0x5], $0x8000, $0x38;
	[tilespmem:$0x16400] =	vst v63  }
0x58: {  	_ =	swait.ge [sflag:s21], $0x4000  }
0x59: {  	[sflag:s21] =	ssyncset.done $0x0  }
0x5a: {  	[sflag:s21] =	ssyncadd.s32 $0xFFFFC000  }
0x5b: {  	_ =	swait.ge [sflag:s22], $0x4000  }
0x5c: {  	[sflag:s22] =	ssyncset.done $0x0  }
0x5d: {  	s24 =	sadd.s32 $0x1, s24;
	[sflag:s22] =	ssyncadd.s32 $0xFFFFC000  }
0x5e: {  	[hbm4b:s6+s3] =	stream.linear.scatter [tilespmem:s15], [sflag:$0x6], $0x8000, $0x38;
	[tilespmem:$0x16400] =	vst v63  }
0x5f: {  	p0 =	sne.s32 s24, s7;
	_ =	swait.ge [sflag:s20], $0x8000  }
.Ltmp1:
0x60: {  	[sflag:s20] =	ssyncset.done $0x0;
	(pc) =	sbr.rel @p0 .LBB2_1-.Ltmp1, $4  }
0x61: {  	[sflag:s20] =	ssyncadd.s32 $0xFFFF8000  }
0x62: {  	_ =	swait.ge [sflag:s23], $0x8000  }
0x63: {  	[sflag:s23] =	ssyncset.done $0x0  }
0x64: {  	[sflag:s23] =	ssyncadd.s32 $0xFFFF8000  }
0x65: {  	_ =	sfence.sel $0x180000  }
0x66: {  	[bflag:$0x0] =	sbarrier.arrive $0xFFFF  }
0x67: {  	p0 =	sne.s32 s0, $0x0;
	_ =	strace $0x90000047  }
0x68: {  	s0 =	sadd.s32 @!p0 $0x100000, s2;
	[bflag:$0x2] =	sbarrier.arrive $0xFFFF  }
0x69: {  	[sflag:s0] =	ssyncadd.tile.s32 @!p0 $0x1;
	_ =	shalt  }
.Lfunc_end2:
_tile_overlayer_lowered:
.L_overlay_start_2:
0x6a: {  	(tag) =	ssettag $0x2  }
0x6b: {  	s0 =	rddreg [dreg:$0x0];
	s2 =	stileid.u32  }
0x6c: {  	s1 =	rddreg [dreg:$0x1];
	p0 =	sne.s32 s2, $0x0  }
0x6d: {  	s3 =	rddreg [dreg:$0x2];
	[bflag:$0x3] =	sbarrier.arrive $0xFFFF;
	s2 =	simm.s32 @!p0 $0x1C07  }
0x6e: {  	[timem:s3], [sflag:s2] =	dma.local @!p0 [hbm:s0], s1  }
0x6f: {  	s0 =	simm.s32 @!p0 $0x7  }
0x70: {  	_ =	swait.ge @!p0 [sflag:s0], s1  }
0x71: {  	s1 =	ssub.s32 @!p0 $0x0, s1;
	[sflag:s0] =	ssyncset.done @!p0 $0x0  }
0x72: {  	[sflag:s0] =	ssyncadd.s32 @!p0 s1  }
0x73: {  	[bflag:$0x3] =	sbarrier.arrive $0xFFFF  }
0x74: {  	_ =	shalt  }

</sc_bundles>
